<compile_context>
chip_gen: v7x
topology: tpu7x:2x2x1
jax: 0.10.2.dev20260603
libtpu: 0.0.44.dev20260713+nightly
codegen_flags: <defaults>
</compile_context>

<pallas_src>
import functools

import jax
import jax.numpy as jnp
from jax import lax
from jax.experimental import pallas as pl
from jax.experimental.pallas import tpu as pltpu
from jax.experimental.pallas import tpu_sc as plsc

N_I = 50000
BN = 1024
NB = 49
N_PAD = NB * BN
NCH = N_PAD // 128
NCHB = BN // 128
K_TOP = 500
EPS = 1e-10


def _count(mask):
    return jnp.sum(jnp.where(mask, 1.0, 0.0))


def _msum(mask, vals):
    return jnp.sum(jnp.where(mask, vals, 0.0))


def _body(label_ref, h_ref, w1_ref, b1_ref, wa_ref, ba_ref, wb_ref, bb_ref,
          wct_ref, wmix_ref, bias_ref, eye_ref, out_ref,
          sD0, sD1, sC0, sC1, sL0, sL1, sL2):
    i = pl.program_id(0)

    @pl.when(i < NB)
    def _matmul_phase():
        dn = (((1,), (1,)), ((), ()))
        h1 = jnp.maximum(
            jax.lax.dot_general(h_ref[...], w1_ref[...], dn,
                                preferred_element_type=jnp.float32)
            + b1_ref[...], 0.0)
        a = jnp.tanh(jax.lax.dot_general(h1, wa_ref[...], dn,
                                         preferred_element_type=jnp.float32)
                     + ba_ref[...])
        g = jax.nn.sigmoid(jax.lax.dot_general(h1, wb_ref[...], dn,
                                               preferred_element_type=jnp.float32)
                           + bb_ref[...])
        c = (jnp.dot(a * g, wct_ref[...], preferred_element_type=jnp.float32)
             + jnp.dot(h1, wmix_ref[...], preferred_element_type=jnp.float32)
             + bias_ref[...])
        grow = i * BN + jax.lax.broadcasted_iota(jnp.int32, (BN, 128), 0)
        c = jnp.where(grow < N_I, c, 0.0)
        cts = []
        for kk in range(NCHB):
            chunk = c[kk * 128:(kk + 1) * 128, :]
            cts.append(jax.lax.dot_general(eye_ref[...], chunk,
                                           (((1,), (1,)), ((), ())),
                                           preferred_element_type=jnp.float32))
        for q, sref in enumerate((sD0, sD1, sC0, sC1, sL0, sL1, sL2)):
            tq = jnp.concatenate([cts[kk][q:q + 1, :] for kk in range(NCHB)],
                                 axis=0)
            sref[pl.ds(i * NCHB, NCHB), :] = tq

    @pl.when(i == NB)
    def _epilogue():
        D0 = sD0[...]
        D1 = sD1[...]
        C0 = sC0[...]
        C1 = sC1[...]
        L0 = sL0[...]
        L1 = sL1[...]
        L2 = sL2[...]

        row = jax.lax.broadcasted_iota(jnp.int32, (NCH, 128), 0)
        lane = jax.lax.broadcasted_iota(jnp.int32, (NCH, 128), 1)
        idx = row * 128 + lane
        valid = idx < N_I

        m0 = jnp.max(jnp.where(valid, D0, -jnp.inf))
        m1 = jnp.max(jnp.where(valid, D1, -jnp.inf))
        e0 = jnp.exp(D0 - m0)
        e1 = jnp.exp(D1 - m1)
        det0 = e0 / _msum(valid, e0)
        det1 = e1 / _msum(valid, e1)

        cls0 = jax.nn.sigmoid(C0 - C1)
        F0 = cls0 * det0
        F1 = (1.0 - cls0) * det1

        yp0 = jnp.clip(_msum(valid, F0), EPS, 1.0 - EPS)
        yp1 = jnp.clip(_msum(valid, F1), EPS, 1.0 - EPS)

        lm = jnp.maximum(L0, jnp.maximum(L1, L2))
        lse = lm + jnp.log(jnp.exp(L0 - lm) + jnp.exp(L1 - lm) + jnp.exp(L2 - lm))
        lab = label_ref[0]
        lsel = lse - jnp.where(lab == 0, L0, L1)
        l2 = lse - L2

        F = jnp.where(lab == 0, F0, F1)
        fmin = jnp.min(jnp.where(valid, F, jnp.inf))
        fmax = jnp.max(jnp.where(valid, F, -jnp.inf))
        s = jnp.where(valid, (F - fmin) / (fmax - fmin), -1.0)
        bits = jnp.where(valid, jax.lax.bitcast_convert_type(s, jnp.int32),
                         jnp.int32(-1))
        fm = jnp.where(valid, (F0 + F1) * 0.5, jnp.inf)
        nbits = jnp.where(valid,
                          jax.lax.bitcast_convert_type((F0 + F1) * 0.5,
                                                       jnp.int32),
                          jnp.int32(0x7F800000))

        def bs(carry, _):
            lo1, hi1, lo2, hi2 = carry
            mid1 = lo1 + (hi1 - lo1) // 2
            mid2 = lo2 + (hi2 - lo2) // 2
            c1 = _count(bits >= mid1)
            c2 = _count(nbits <= mid2)
            lo1 = jnp.where(c1 >= K_TOP, mid1, lo1)
            hi1 = jnp.where(c1 >= K_TOP, hi1, mid1)
            lo2 = jnp.where(c2 >= K_TOP, lo2, mid2)
            hi2 = jnp.where(c2 >= K_TOP, mid2, hi2)
            return (lo1, hi1, lo2, hi2), None

        (tb, _, _, ntb), _ = jax.lax.scan(
            bs, (jnp.int32(0), jnp.int32(0x3F800001),
                 jnp.int32(-1), jnp.int32(0x7F800000)), None, length=32)
        t = jax.lax.bitcast_convert_type(tb, jnp.float32)
        nt = jax.lax.bitcast_convert_type(ntb, jnp.float32)

        gt = s > t
        m = K_TOP - _count(gt)
        tie_idx = jnp.where(s == t, idx, jnp.int32(N_PAD))
        lt = fm < nt
        nm = K_TOP - _count(lt)
        ntie_idx = jnp.where(fm == nt, idx, jnp.int32(N_PAD))

        def bs2(carry, _):
            lo1, hi1, lo2, hi2 = carry
            mid1 = lo1 + (hi1 - lo1) // 2
            mid2 = lo2 + (hi2 - lo2) // 2
            c1 = _count(tie_idx < mid1)
            c2 = _count(ntie_idx < mid2)
            lo1 = jnp.where(c1 >= m, lo1, mid1)
            hi1 = jnp.where(c1 >= m, mid1, hi1)
            lo2 = jnp.where(c2 >= nm, lo2, mid2)
            hi2 = jnp.where(c2 >= nm, mid2, hi2)
            return (lo1, hi1, lo2, hi2), None

        (_, ib, _, nib), _ = jax.lax.scan(
            bs2, (jnp.int32(0), jnp.int32(N_PAD),
                  jnp.int32(0), jnp.int32(N_PAD)), None, length=17)

        loss_k = _msum(gt, lsel) + _msum(tie_idx < ib, lsel)
        half = s > 0.5
        use_k = t > 0.5
        lcs = jnp.where(use_k, loss_k, _msum(half, lsel))
        ccs = jnp.where(use_k, jnp.float32(K_TOP), _count(half))

        nloss_k = _msum(lt, l2) + _msum(ntie_idx < nib, l2)
        nhalf = fm < 0.5
        nuse_k = nt < 0.5
        lnp = jnp.where(nuse_k, nloss_k, _msum(nhalf, l2))
        cnp = jnp.where(nuse_k, jnp.float32(K_TOP), _count(nhalf))

        out_ref[0] = yp0
        out_ref[1] = yp1
        out_ref[2] = (lcs + lnp) / (ccs + cnp)
        for q in range(3, 16):
            out_ref[q] = jnp.float32(0.0)


def _sc_passthrough(x):
    mesh = plsc.VectorSubcoreMesh(core_axis_name="c", subcore_axis_name="s")

    @functools.partial(
        pl.kernel, mesh=mesh,
        out_type=jax.ShapeDtypeStruct((16,), jnp.float32),
        scratch_types=[pltpu.VMEM((16,), jnp.float32)],
    )
    def sc_copy(x_hbm, o_hbm, buf):
        wid = lax.axis_index("s") * 2 + lax.axis_index("c")

        @pl.when(wid == 0)
        def _():
            pltpu.sync_copy(x_hbm, buf)
            pltpu.sync_copy(buf, o_hbm)

    return sc_copy(x)


def _run(h, label, W1, b1, Wa, ba, Wb, bb, Wc, bc, Wcls, bcls, Wref, bref,
         interpret=False):
    wct = jnp.zeros((256, 128), jnp.float32).at[:, 0:2].set(Wc.T)
    wmix = (jnp.zeros((512, 128), jnp.float32)
            .at[:, 2:4].set(Wcls.T).at[:, 4:7].set(Wref.T))
    bias = (jnp.zeros((1, 128), jnp.float32)
            .at[0, 0:2].set(bc).at[0, 2:4].set(bcls).at[0, 4:7].set(bref))
    eye = jnp.eye(8, 128, dtype=jnp.float32)

    out = pl.pallas_call(
        _body,
        grid=(NB + 1,),
        in_specs=[
            pl.BlockSpec(memory_space=pltpu.MemorySpace.SMEM),
            pl.BlockSpec((BN, 1024), lambda i: (jnp.minimum(i, NB - 1), 0)),
            pl.BlockSpec((512, 1024), lambda i: (0, 0)),
            pl.BlockSpec((1, 512), lambda i: (0, 0)),
            pl.BlockSpec((256, 512), lambda i: (0, 0)),
            pl.BlockSpec((1, 256), lambda i: (0, 0)),
            pl.BlockSpec((256, 512), lambda i: (0, 0)),
            pl.BlockSpec((1, 256), lambda i: (0, 0)),
            pl.BlockSpec((256, 128), lambda i: (0, 0)),
            pl.BlockSpec((512, 128), lambda i: (0, 0)),
            pl.BlockSpec((1, 128), lambda i: (0, 0)),
            pl.BlockSpec((8, 128), lambda i: (0, 0)),
        ],
        out_specs=pl.BlockSpec(memory_space=pltpu.MemorySpace.SMEM),
        out_shape=jax.ShapeDtypeStruct((16,), jnp.float32),
        scratch_shapes=[pltpu.VMEM((NCH, 128), jnp.float32) for _ in range(7)],
        compiler_params=pltpu.CompilerParams(
            dimension_semantics=("arbitrary",)),
        interpret=interpret,
    )(label.astype(jnp.int32), h, W1, b1.reshape(1, 512), Wa,
      ba.reshape(1, 256), Wb, bb.reshape(1, 256), wct, wmix, bias, eye)
    return out


def kernel(h, label, instance_eval, W1, b1, Wa, ba, Wb, bb, Wc, bc,
           Wcls, bcls, Wref, bref):
    out = _run(h, label, W1, b1, Wa, ba, Wb, bb, Wc, bc, Wcls, bcls, Wref, bref)
    out = _sc_passthrough(out)
    Y_prob = out[0:2]
    Y_hat = jnp.argmax(Y_prob)
    instance_loss = jnp.where(instance_eval != 0, out[2], jnp.float32(0.0))
    return (Y_prob, Y_hat, instance_loss)

# --- scband reference (transcript-rebuilt; emitter-appended) ---
"""Pipeline reference for scband-iamil-27702539059221 (READ-ONLY COPY).

The authoritative reference and input builder live on the scoring server;
editing this copy changes nothing except your own understanding.
"""

import jax, jax.numpy as jnp
import numpy as np

N_INST = 50000
FEA = 1024
D1 = 512
D2 = 256
NCLS = 2
TP_RATE = 0.01
NP_RATE = 0.01


def setup_inputs(seed: int = 0) -> dict:
    key = jax.random.key(seed)
    ks = jax.random.split(key, 16)
    h = jax.random.normal(ks[0], (N_INST, FEA), dtype=jnp.float32)
    label = jax.random.randint(ks[1], (1,), 0, NCLS)
    instance_eval = 1

    def lin(k, out_f, in_f):
        return jax.random.normal(k, (out_f, in_f), dtype=jnp.float32) * (1.0 / np.sqrt(in_f))

    W1 = lin(ks[2], D1, FEA); b1 = jnp.zeros((D1,), jnp.float32)
    Wa = lin(ks[3], D2, D1); ba = jnp.zeros((D2,), jnp.float32)
    Wb = lin(ks[4], D2, D1); bb = jnp.zeros((D2,), jnp.float32)
    Wc = lin(ks[5], NCLS, D2); bc = jnp.zeros((NCLS,), jnp.float32)
    Wcls = lin(ks[6], NCLS, D1); bcls = jnp.zeros((NCLS,), jnp.float32)
    Wref = lin(ks[7], NCLS + 1, D1); bref = jnp.zeros((NCLS + 1,), jnp.float32)
    return {"h": h, "label": label, "instance_eval": instance_eval,
            "W1": W1, "b1": b1, "Wa": Wa, "ba": ba, "Wb": Wb, "bb": bb,
            "Wc": Wc, "bc": bc, "Wcls": Wcls, "bcls": bcls, "Wref": Wref, "bref": bref}


def _ce_const_target(logits, target):
    # torch CrossEntropyLoss(reduction='none') with constant integer target
    return jax.nn.logsumexp(logits, axis=1) - logits[:, target]


def reference(h, label, instance_eval, W1, b1, Wa, ba, Wb, bb, Wc, bc, Wcls, bcls, Wref, bref):
    epsilon = 1e-10
    # det_net: Linear + ReLU + Attn_Net_Gated
    h1 = jax.nn.relu(h @ W1.T + b1)
    a = jnp.tanh(h1 @ Wa.T + ba)
    g = jax.nn.sigmoid(h1 @ Wb.T + bb)
    det_logit = (a * g) @ Wc.T + bc          # [N, n_classes]
    cls_logit = h1 @ Wcls.T + bcls            # [N, n_classes]
    cls_score = jax.nn.softmax(cls_logit, axis=1)
    det_score = jax.nn.softmax(det_logit, axis=0)  # softmax over instances
    final_score = cls_score * det_score
    N = h1.shape[0]

    loss_sum = jnp.float32(0.0)
    cnt = jnp.float32(0.0)
    # find_candidate (r == 0), label non-empty branch
    for cls in range(NCLS):
        in_cls = jnp.any(label == cls)
        s = final_score[:, cls]
        s = (s - s.min()) / (s.max() - s.min())
        k = max(1, int(N * TP_RATE))
        tp_score, tp_index = jax.lax.top_k(s, k)
        # torch filters tp_index by tp_score > 0.5; equivalent masked mean
        mask = (tp_score > 0.5).astype(jnp.float32)
        tp_h = jnp.take(h1, tp_index, axis=0)
        l = _ce_const_target(tp_h @ Wref.T + bref, cls)
        loss_sum = loss_sum + jnp.where(in_cls, jnp.sum(l * mask), jnp.float32(0.0))
        cnt = cnt + jnp.where(in_cls, jnp.sum(mask), jnp.float32(0.0))
    fm = jnp.mean(final_score, axis=1)
    np_neg, np_index = jax.lax.top_k(-fm, int(N * NP_RATE))
    np_score = -np_neg
    maskn = (np_score < 0.5).astype(jnp.float32)
    np_h = jnp.take(h1, np_index, axis=0)
    ln = _ce_const_target(np_h @ Wref.T + bref, NCLS)
    loss_sum = loss_sum + jnp.sum(ln * maskn)
    cnt = cnt + jnp.sum(maskn)
    instance_loss = jnp.where(instance_eval != 0, loss_sum / cnt, jnp.float32(0.0))
    # ref_logits over all instances (n_refs == 1, ref_score unused downstream)
    ref_logits = h1 @ Wref.T + bref
    _ = jax.nn.softmax(ref_logits, axis=1)

    Y_prob = jnp.clip(jnp.sum(final_score, axis=0), epsilon, 1.0 - epsilon)
    Y_hat = jnp.argmax(Y_prob)
    return (Y_prob, Y_hat, instance_loss)


if False:  # reference __main__ guard neutralized (emitter)
    out = reference(**setup_inputs())
    print(out[0], out[1], out[2])

if __name__ == "__main__":
    import jax
    _d = setup_inputs()
    print(jax.jit(kernel)(*tuple(_d.values())))

</pallas_src>

<mosaic_0001>
#map = affine_map<(d0, d1) -> (0)>
module attributes {stable_mosaic.version = 14 : i64} {
  func.func @sc_copy(%arg0: i32, %arg1: i32, %arg2: memref<16xf32, #tpu.memory_space<hbm>>, %arg3: memref<16xf32, #tpu.memory_space<hbm>>, %arg4: memref<16xf32, #tpu.memory_space<vmem>>) attributes {dimension_semantics = [#tpu.dimension_semantics<core_parallel>, #tpu.dimension_semantics<subcore_parallel>], iteration_bounds = array<i64: 2, 16>, scalar_prefetch = 0 : i64, scratch_operands = 1 : i64, tpu.core_type = #tpu.core_type<sc_vector_subcore>, window_params = [{transform_indices = #map}, {transform_indices = #map}]} {
    %mul3A = arith.constant 2 : i32
    %mul3A_0 = arith.muli %arg1, %mul3A : i32
    %add3A = arith.addi %mul3A_0, %arg0 : i32
    %eq3A = arith.constant 0 : i32
    %eq3A_1 = arith.cmpi eq, %add3A, %eq3A : i32
    %convert_element_type3A = arith.extui %eq3A_1 : i1 to i32
    %cond3A = arith.constant 0 : i32
    %cond3A_2 = arith.cmpi ne, %convert_element_type3A, %cond3A : i32
    scf.if %cond3A_2 {
      "tpu.region"() ({
        %run_scoped3A = tpu.sem_alloc : memref<!tpu.dma_semaphore, #tpu.memory_space<semaphore_mem>>
        tpu.enqueue_dma source(%arg2 : memref<16xf32, #tpu.memory_space<hbm>>) target(%arg4 : memref<16xf32, #tpu.memory_space<vmem>>) target_semaphore(%run_scoped3A : memref<!tpu.dma_semaphore, #tpu.memory_space<semaphore_mem>>)
        tpu.wait_dma2 semaphore(%run_scoped3A : memref<!tpu.dma_semaphore, #tpu.memory_space<semaphore_mem>>) src(%arg2 : memref<16xf32, #tpu.memory_space<hbm>>) dst(%arg4 : memref<16xf32, #tpu.memory_space<vmem>>)
        tpu.yield
      }) : () -> ()
      "tpu.region"() ({
        %run_scoped3A = tpu.sem_alloc : memref<!tpu.dma_semaphore, #tpu.memory_space<semaphore_mem>>
        tpu.enqueue_dma source(%arg4 : memref<16xf32, #tpu.memory_space<vmem>>) target(%arg3 : memref<16xf32, #tpu.memory_space<hbm>>) target_semaphore(%run_scoped3A : memref<!tpu.dma_semaphore, #tpu.memory_space<semaphore_mem>>)
        tpu.wait_dma2 semaphore(%run_scoped3A : memref<!tpu.dma_semaphore, #tpu.memory_space<semaphore_mem>>) src(%arg4 : memref<16xf32, #tpu.memory_space<vmem>>) dst(%arg3 : memref<16xf32, #tpu.memory_space<hbm>>)
        tpu.yield
      }) : () -> ()
    } else {
    }
    return
  }
}

module attributes {stable_mosaic.version = 14 : i64} {
  func.func @_body(%arg0: i32, %arg1: memref<1xi32, #tpu.memory_space<smem>>, %arg2: memref<1024x1024xf32, #tpu.memory_space<vmem>>, %arg3: memref<512x1024xf32, #tpu.memory_space<vmem>>, %arg4: memref<1x512xf32, #tpu.memory_space<vmem>>, %arg5: memref<256x512xf32, #tpu.memory_space<vmem>>, %arg6: memref<1x256xf32, #tpu.memory_space<vmem>>, %arg7: memref<256x512xf32, #tpu.memory_space<vmem>>, %arg8: memref<1x256xf32, #tpu.memory_space<vmem>>, %arg9: memref<256x128xf32, #tpu.memory_space<vmem>>, %arg10: memref<512x128xf32, #tpu.memory_space<vmem>>, %arg11: memref<1x128xf32, #tpu.memory_space<vmem>>, %arg12: memref<8x128xf32, #tpu.memory_space<vmem>>, %arg13: memref<16xf32, #tpu.memory_space<smem>>, %arg14: memref<392x128xf32, #tpu.memory_space<vmem>>, %arg15: memref<392x128xf32, #tpu.memory_space<vmem>>, %arg16: memref<392x128xf32, #tpu.memory_space<vmem>>, %arg17: memref<392x128xf32, #tpu.memory_space<vmem>>, %arg18: memref<392x128xf32, #tpu.memory_space<vmem>>, %arg19: memref<392x128xf32, #tpu.memory_space<vmem>>, %arg20: memref<392x128xf32, #tpu.memory_space<vmem>>) attributes {dimension_semantics = [#tpu.dimension_semantics<arbitrary>], iteration_bounds = array<i64: 50>, scalar_prefetch = 0 : i64, scratch_operands = 7 : i64, tpu.core_type = #tpu.core_type<tc>, window_params = [{transform_indices = @transform_0, window_bounds = array<i64: 1>}, {transform_indices = @transform_1, window_bounds = array<i64: 1024, 1024>}, {pipeline_mode = #tpu.pipeline_mode<synchronous>, transform_indices = @transform_2, window_bounds = array<i64: 512, 1024>}, {pipeline_mode = #tpu.pipeline_mode<synchronous>, transform_indices = @transform_3, window_bounds = array<i64: 1, 512>}, {pipeline_mode = #tpu.pipeline_mode<synchronous>, transform_indices = @transform_4, window_bounds = array<i64: 256, 512>}, {pipeline_mode = #tpu.pipeline_mode<synchronous>, transform_indices = @transform_5, window_bounds = array<i64: 1, 256>}, {pipeline_mode = #tpu.pipeline_mode<synchronous>, transform_indices = @transform_6, window_bounds = array<i64: 256, 512>}, {pipeline_mode = #tpu.pipeline_mode<synchronous>, transform_indices = @transform_7, window_bounds = array<i64: 1, 256>}, {pipeline_mode = #tpu.pipeline_mode<synchronous>, transform_indices = @transform_8, window_bounds = array<i64: 256, 128>}, {pipeline_mode = #tpu.pipeline_mode<synchronous>, transform_indices = @transform_9, window_bounds = array<i64: 512, 128>}, {pipeline_mode = #tpu.pipeline_mode<synchronous>, transform_indices = @transform_10, window_bounds = array<i64: 1, 128>}, {pipeline_mode = #tpu.pipeline_mode<synchronous>, transform_indices = @transform_11, window_bounds = array<i64: 8, 128>}, {transform_indices = @transform_12, window_bounds = array<i64: 16>}]} {
    %lt3A = arith.constant 49 : i32
    %lt3A_0 = arith.cmpi slt, %arg0, %lt3A : i32
    %convert_element_type3A = arith.extui %lt3A_0 : i1 to i32
    %cond3A = arith.constant 0 : i32
    %cond3A_1 = arith.cmpi ne, %convert_element_type3A, %cond3A : i32
    scf.if %cond3A_1 {
      %get3A = arith.constant 0 : index
      %get3A_6 = arith.constant 0 : index
      %get3A_7 = vector.load %arg2[%get3A, %get3A_6] : memref<1024x1024xf32, #tpu.memory_space<vmem>>, vector<1024x1024xf32>
      %get3A_8 = arith.constant 0 : index
      %get3A_9 = arith.constant 0 : index
      %get3A_10 = vector.load %arg3[%get3A_8, %get3A_9] : memref<512x1024xf32, #tpu.memory_space<vmem>>, vector<512x1024xf32>
      %dot_general3A = arith.constant dense<0.000000e+00> : vector<1024x512xf32>
      %dot_general3A_11 = tpu.matmul %get3A_7, %get3A_10, %dot_general3A {dimension_numbers = #tpu.dot_dimension_numbers<[1], [1], [0], [0], [0, 0, 1, 0], [], []>, transpose_lhs_hint = false} : vector<1024x1024xf32>, vector<512x1024xf32>, vector<1024x512xf32> -> vector<1024x512xf32>
      %get3A_12 = arith.constant 0 : index
      %get3A_13 = arith.constant 0 : index
      %get3A_14 = vector.load %arg4[%get3A_12, %get3A_13] : memref<1x512xf32, #tpu.memory_space<vmem>>, vector<1x512xf32>
      %add3A = vector.broadcast %get3A_14 : vector<1x512xf32> to vector<1024x512xf32>
      %add3A_15 = arith.addf %dot_general3A_11, %add3A : vector<1024x512xf32>
      %max3A = arith.constant 0.000000e+00 : f32
      %max3A_16 = vector.broadcast %max3A : f32 to vector<1024x512xf32>
      %max3A_17 = arith.maximumf %add3A_15, %max3A_16 : vector<1024x512xf32>
      %get3A_18 = arith.constant 0 : index
      %get3A_19 = arith.constant 0 : index
      %get3A_20 = vector.load %arg5[%get3A_18, %get3A_19] : memref<256x512xf32, #tpu.memory_space<vmem>>, vector<256x512xf32>
      %dot_general3A_21 = arith.constant dense<0.000000e+00> : vector<1024x256xf32>
      %dot_general3A_22 = tpu.matmul %max3A_17, %get3A_20, %dot_general3A_21 {dimension_numbers = #tpu.dot_dimension_numbers<[1], [1], [0], [0], [0, 0, 1, 0], [], []>, transpose_lhs_hint = false} : vector<1024x512xf32>, vector<256x512xf32>, vector<1024x256xf32> -> vector<1024x256xf32>
      %get3A_23 = arith.constant 0 : index
      %get3A_24 = arith.constant 0 : index
      %get3A_25 = vector.load %arg6[%get3A_23, %get3A_24] : memref<1x256xf32, #tpu.memory_space<vmem>>, vector<1x256xf32>
      %add3A_26 = vector.broadcast %get3A_25 : vector<1x256xf32> to vector<1024x256xf32>
      %add3A_27 = arith.addf %dot_general3A_22, %add3A_26 : vector<1024x256xf32>
      %tanh3A = math.tanh %add3A_27 : vector<1024x256xf32>
      %get3A_28 = arith.constant 0 : index
      %get3A_29 = arith.constant 0 : index
      %get3A_30 = vector.load %arg7[%get3A_28, %get3A_29] : memref<256x512xf32, #tpu.memory_space<vmem>>, vector<256x512xf32>
      %dot_general3A_31 = arith.constant dense<0.000000e+00> : vector<1024x256xf32>
      %dot_general3A_32 = tpu.matmul %max3A_17, %get3A_30, %dot_general3A_31 {dimension_numbers = #tpu.dot_dimension_numbers<[1], [1], [0], [0], [0, 0, 1, 0], [], []>, transpose_lhs_hint = false} : vector<1024x512xf32>, vector<256x512xf32>, vector<1024x256xf32> -> vector<1024x256xf32>
      %get3A_33 = arith.constant 0 : index
      %get3A_34 = arith.constant 0 : index
      %get3A_35 = vector.load %arg8[%get3A_33, %get3A_34] : memref<1x256xf32, #tpu.memory_space<vmem>>, vector<1x256xf32>
      %add3A_36 = vector.broadcast %get3A_35 : vector<1x256xf32> to vector<1024x256xf32>
      %add3A_37 = arith.addf %dot_general3A_32, %add3A_36 : vector<1024x256xf32>
      %logistic3A = arith.negf %add3A_37 : vector<1024x256xf32>
      %logistic3A_38 = math.exp %logistic3A : vector<1024x256xf32>
      %logistic3A_39 = arith.constant 1.000000e+00 : f32
      %logistic3A_40 = vector.broadcast %logistic3A_39 : f32 to vector<1024x256xf32>
      %logistic3A_41 = arith.addf %logistic3A_40, %logistic3A_38 : vector<1024x256xf32>
      %logistic3A_42 = arith.divf %logistic3A_40, %logistic3A_41 : vector<1024x256xf32>
      %mul3A = arith.mulf %tanh3A, %logistic3A_42 : vector<1024x256xf32>
      %get3A_43 = arith.constant 0 : index
      %get3A_44 = arith.constant 0 : index
      %get3A_45 = vector.load %arg9[%get3A_43, %get3A_44] : memref<256x128xf32, #tpu.memory_space<vmem>>, vector<256x128xf32>
      %dot_general3A_46 = arith.constant dense<0.000000e+00> : vector<1024x128xf32>
      %dot_general3A_47 = tpu.matmul %mul3A, %get3A_45, %dot_general3A_46 {dimension_numbers = #tpu.dot_dimension_numbers<[1], [0], [0], [1], [0, 0, 1, 1], [], []>, transpose_lhs_hint = false} : vector<1024x256xf32>, vector<256x128xf32>, vector<1024x128xf32> -> vector<1024x128xf32>
      %get3A_48 = arith.constant 0 : index
      %get3A_49 = arith.constant 0 : index
      %get3A_50 = vector.load %arg10[%get3A_48, %get3A_49] : memref<512x128xf32, #tpu.memory_space<vmem>>, vector<512x128xf32>
      %dot_general3A_51 = arith.constant dense<0.000000e+00> : vector<1024x128xf32>
      %dot_general3A_52 = tpu.matmul %max3A_17, %get3A_50, %dot_general3A_51 {dimension_numbers = #tpu.dot_dimension_numbers<[1], [0], [0], [1], [0, 0, 1, 1], [], []>, transpose_lhs_hint = false} : vector<1024x512xf32>, vector<512x128xf32>, vector<1024x128xf32> -> vector<1024x128xf32>
      %add3A_53 = arith.addf %dot_general3A_47, %dot_general3A_52 : vector<1024x128xf32>
      %get3A_54 = arith.constant 0 : index
      %get3A_55 = arith.constant 0 : index
      %get3A_56 = vector.load %arg11[%get3A_54, %get3A_55] : memref<1x128xf32, #tpu.memory_space<vmem>>, vector<1x128xf32>
      %add3A_57 = vector.broadcast %get3A_56 : vector<1x128xf32> to vector<1024x128xf32>
      %add3A_58 = arith.addf %add3A_53, %add3A_57 : vector<1024x128xf32>
      %mul3A_59 = arith.constant 1024 : i32
      %mul3A_60 = arith.muli %arg0, %mul3A_59 : i32
      %iota3A = tpu.iota {dimensions = array<i32: 0>} : vector<1024x128xi32>
      %add3A_61 = vector.broadcast %mul3A_60 : i32 to vector<1024x128xi32>
      %add3A_62 = arith.addi %add3A_61, %iota3A : vector<1024x128xi32>
      %lt3A_63 = arith.constant 50000 : i32
      %lt3A_64 = vector.broadcast %lt3A_63 : i32 to vector<1024x128xi32>
      %lt3A_65 = arith.cmpi slt, %add3A_62, %lt3A_64 : vector<1024x128xi32>
      %jit3A = arith.constant 0.000000e+00 : f32
      %broadcast_in_dim3A = vector.broadcast %jit3A : f32 to vector<1024x128xf32>
      %select_n3A = arith.select %lt3A_65, %add3A_58, %broadcast_in_dim3A : vector<1024x128xi1>, vector<1024x128xf32>
      %slice3A = vector.extract_strided_slice %select_n3A {offsets = [0, 0], sizes = [128, 128], strides = [1, 1]} : vector<1024x128xf32> to vector<128x128xf32>
      %get3A_66 = arith.constant 0 : index
      %get3A_67 = arith.constant 0 : index
      %get3A_68 = vector.load %arg12[%get3A_66, %get3A_67] : memref<8x128xf32, #tpu.memory_space<vmem>>, vector<8x128xf32>
      %dot_general3A_69 = arith.constant dense<0.000000e+00> : vector<8x128xf32>
      %dot_general3A_70 = tpu.matmul %get3A_68, %slice3A, %dot_general3A_69 {dimension_numbers = #tpu.dot_dimension_numbers<[1], [1], [0], [0], [0, 0, 1, 0], [], []>, transpose_lhs_hint = false} : vector<8x128xf32>, vector<128x128xf32>, vector<8x128xf32> -> vector<8x128xf32>
      %slice3A_71 = vector.extract_strided_slice %select_n3A {offsets = [128, 0], sizes = [128, 128], strides = [1, 1]} : vector<1024x128xf32> to vector<128x128xf32>
      %get3A_72 = arith.constant 0 : index
      %get3A_73 = arith.constant 0 : index
      %get3A_74 = vector.load %arg12[%get3A_72, %get3A_73] : memref<8x128xf32, #tpu.memory_space<vmem>>, vector<8x128xf32>
      %dot_general3A_75 = arith.constant dense<0.000000e+00> : vector<8x128xf32>
      %dot_general3A_76 = tpu.matmul %get3A_74, %slice3A_71, %dot_general3A_75 {dimension_numbers = #tpu.dot_dimension_numbers<[1], [1], [0], [0], [0, 0, 1, 0], [], []>, transpose_lhs_hint = false} : vector<8x128xf32>, vector<128x128xf32>, vector<8x128xf32> -> vector<8x128xf32>
      %slice3A_77 = vector.extract_strided_slice %select_n3A {offsets = [256, 0], sizes = [128, 128], strides = [1, 1]} : vector<1024x128xf32> to vector<128x128xf32>
      %get3A_78 = arith.constant 0 : index
      %get3A_79 = arith.constant 0 : index
      %get3A_80 = vector.load %arg12[%get3A_78, %get3A_79] : memref<8x128xf32, #tpu.memory_space<vmem>>, vector<8x128xf32>
      %dot_general3A_81 = arith.constant dense<0.000000e+00> : vector<8x128xf32>
      %dot_general3A_82 = tpu.matmul %get3A_80, %slice3A_77, %dot_general3A_81 {dimension_numbers = #tpu.dot_dimension_numbers<[1], [1], [0], [0], [0, 0, 1, 0], [], []>, transpose_lhs_hint = false} : vector<8x128xf32>, vector<128x128xf32>, vector<8x128xf32> -> vector<8x128xf32>
      %slice3A_83 = vector.extract_strided_slice %select_n3A {offsets = [384, 0], sizes = [128, 128], strides = [1, 1]} : vector<1024x128xf32> to vector<128x128xf32>
      %get3A_84 = arith.constant 0 : index
      %get3A_85 = arith.constant 0 : index
      %get3A_86 = vector.load %arg12[%get3A_84, %get3A_85] : memref<8x128xf32, #tpu.memory_space<vmem>>, vector<8x128xf32>
      %dot_general3A_87 = arith.constant dense<0.000000e+00> : vector<8x128xf32>
      %dot_general3A_88 = tpu.matmul %get3A_86, %slice3A_83, %dot_general3A_87 {dimension_numbers = #tpu.dot_dimension_numbers<[1], [1], [0], [0], [0, 0, 1, 0], [], []>, transpose_lhs_hint = false} : vector<8x128xf32>, vector<128x128xf32>, vector<8x128xf32> -> vector<8x128xf32>
      %slice3A_89 = vector.extract_strided_slice %select_n3A {offsets = [512, 0], sizes = [128, 128], strides = [1, 1]} : vector<1024x128xf32> to vector<128x128xf32>
      %get3A_90 = arith.constant 0 : index
      %get3A_91 = arith.constant 0 : index
      %get3A_92 = vector.load %arg12[%get3A_90, %get3A_91] : memref<8x128xf32, #tpu.memory_space<vmem>>, vector<8x128xf32>
      %dot_general3A_93 = arith.constant dense<0.000000e+00> : vector<8x128xf32>
      %dot_general3A_94 = tpu.matmul %get3A_92, %slice3A_89, %dot_general3A_93 {dimension_numbers = #tpu.dot_dimension_numbers<[1], [1], [0], [0], [0, 0, 1, 0], [], []>, transpose_lhs_hint = false} : vector<8x128xf32>, vector<128x128xf32>, vector<8x128xf32> -> vector<8x128xf32>
      %slice3A_95 = vector.extract_strided_slice %select_n3A {offsets = [640, 0], sizes = [128, 128], strides = [1, 1]} : vector<1024x128xf32> to vector<128x128xf32>
      %get3A_96 = arith.constant 0 : index
      %get3A_97 = arith.constant 0 : index
      %get3A_98 = vector.load %arg12[%get3A_96, %get3A_97] : memref<8x128xf32, #tpu.memory_space<vmem>>, vector<8x128xf32>
      %dot_general3A_99 = arith.constant dense<0.000000e+00> : vector<8x128xf32>
      %dot_general3A_100 = tpu.matmul %get3A_98, %slice3A_95, %dot_general3A_99 {dimension_numbers = #tpu.dot_dimension_numbers<[1], [1], [0], [0], [0, 0, 1, 0], [], []>, transpose_lhs_hint = false} : vector<8x128xf32>, vector<128x128xf32>, vector<8x128xf32> -> vector<8x128xf32>
      %slice3A_101 = vector.extract_strided_slice %select_n3A {offsets = [768, 0], sizes = [128, 128], strides = [1, 1]} : vector<1024x128xf32> to vector<128x128xf32>
      %get3A_102 = arith.constant 0 : index
      %get3A_103 = arith.constant 0 : index
      %get3A_104 = vector.load %arg12[%get3A_102, %get3A_103] : memref<8x128xf32, #tpu.memory_space<vmem>>, vector<8x128xf32>
      %dot_general3A_105 = arith.constant dense<0.000000e+00> : vector<8x128xf32>
      %dot_general3A_106 = tpu.matmul %get3A_104, %slice3A_101, %dot_general3A_105 {dimension_numbers = #tpu.dot_dimension_numbers<[1], [1], [0], [0], [0, 0, 1, 0], [], []>, transpose_lhs_hint = false} : vector<8x128xf32>, vector<128x128xf32>, vector<8x128xf32> -> vector<8x128xf32>
      %slice3A_107 = vector.extract_strided_slice %select_n3A {offsets = [896, 0], sizes = [128, 128], strides = [1, 1]} : vector<1024x128xf32> to vector<128x128xf32>
      %get3A_108 = arith.constant 0 : index
      %get3A_109 = arith.constant 0 : index
      %get3A_110 = vector.load %arg12[%get3A_108, %get3A_109] : memref<8x128xf32, #tpu.memory_space<vmem>>, vector<8x128xf32>
      %dot_general3A_111 = arith.constant dense<0.000000e+00> : vector<8x128xf32>
      %dot_general3A_112 = tpu.matmul %get3A_110, %slice3A_107, %dot_general3A_111 {dimension_numbers = #tpu.dot_dimension_numbers<[1], [1], [0], [0], [0, 0, 1, 0], [], []>, transpose_lhs_hint = false} : vector<8x128xf32>, vector<128x128xf32>, vector<8x128xf32> -> vector<8x128xf32>
      %slice3A_113 = vector.extract_strided_slice %dot_general3A_70 {offsets = [0, 0], sizes = [1, 128], strides = [1, 1]} : vector<8x128xf32> to vector<1x128xf32>
      %slice3A_114 = vector.extract_strided_slice %dot_general3A_76 {offsets = [0, 0], sizes = [1, 128], strides = [1, 1]} : vector<8x128xf32> to vector<1x128xf32>
      %slice3A_115 = vector.extract_strided_slice %dot_general3A_82 {offsets = [0, 0], sizes = [1, 128], strides = [1, 1]} : vector<8x128xf32> to vector<1x128xf32>
      %slice3A_116 = vector.extract_strided_slice %dot_general3A_88 {offsets = [0, 0], sizes = [1, 128], strides = [1, 1]} : vector<8x128xf32> to vector<1x128xf32>
      %slice3A_117 = vector.extract_strided_slice %dot_general3A_94 {offsets = [0, 0], sizes = [1, 128], strides = [1, 1]} : vector<8x128xf32> to vector<1x128xf32>
      %slice3A_118 = vector.extract_strided_slice %dot_general3A_100 {offsets = [0, 0], sizes = [1, 128], strides = [1, 1]} : vector<8x128xf32> to vector<1x128xf32>
      %slice3A_119 = vector.extract_strided_slice %dot_general3A_106 {offsets = [0, 0], sizes = [1, 128], strides = [1, 1]} : vector<8x128xf32> to vector<1x128xf32>
      %slice3A_120 = vector.extract_strided_slice %dot_general3A_112 {offsets = [0, 0], sizes = [1, 128], strides = [1, 1]} : vector<8x128xf32> to vector<1x128xf32>
      %concatenate3A = tpu.concatenate %slice3A_113, %slice3A_114, %slice3A_115, %slice3A_116, %slice3A_117, %slice3A_118, %slice3A_119, %slice3A_120 in 0 : vector<1x128xf32>, vector<1x128xf32>, vector<1x128xf32>, vector<1x128xf32>, vector<1x128xf32>, vector<1x128xf32>, vector<1x128xf32>, vector<1x128xf32> -> vector<8x128xf32>
      %mul3A_121 = arith.constant 8 : i32
      %mul3A_122 = arith.muli %arg0, %mul3A_121 : i32
      %swap3A = arith.index_cast %mul3A_122 : i32 to index
      %swap3A_123 = arith.constant 0 : index
      %swap3A_124 = vector.load %arg14[%swap3A, %swap3A_123] : memref<392x128xf32, #tpu.memory_space<vmem>>, vector<8x128xf32>
      tpu.vector_store %arg14[%swap3A, %swap3A_123], %concatenate3A {strides = array<i32>} : memref<392x128xf32, #tpu.memory_space<vmem>>, vector<8x128xf32>,
      %slice3A_125 = vector.extract_strided_slice %dot_general3A_70 {offsets = [1, 0], sizes = [1, 128], strides = [1, 1]} : vector<8x128xf32> to vector<1x128xf32>
      %slice3A_126 = vector.extract_strided_slice %dot_general3A_76 {offsets = [1, 0], sizes = [1, 128], strides = [1, 1]} : vector<8x128xf32> to vector<1x128xf32>
      %slice3A_127 = vector.extract_strided_slice %dot_general3A_82 {offsets = [1, 0], sizes = [1, 128], strides = [1, 1]} : vector<8x128xf32> to vector<1x128xf32>
      %slice3A_128 = vector.extract_strided_slice %dot_general3A_88 {offsets = [1, 0], sizes = [1, 128], strides = [1, 1]} : vector<8x128xf32> to vector<1x128xf32>
      %slice3A_129 = vector.extract_strided_slice %dot_general3A_94 {offsets = [1, 0], sizes = [1, 128], strides = [1, 1]} : vector<8x128xf32> to vector<1x128xf32>
      %slice3A_130 = vector.extract_strided_slice %dot_general3A_100 {offsets = [1, 0], sizes = [1, 128], strides = [1, 1]} : vector<8x128xf32> to vector<1x128xf32>
      %slice3A_131 = vector.extract_strided_slice %dot_general3A_106 {offsets = [1, 0], sizes = [1, 128], strides = [1, 1]} : vector<8x128xf32> to vector<1x128xf32>
      %slice3A_132 = vector.extract_strided_slice %dot_general3A_112 {offsets = [1, 0], sizes = [1, 128], strides = [1, 1]} : vector<8x128xf32> to vector<1x128xf32>
      %concatenate3A_133 = tpu.concatenate %slice3A_125, %slice3A_126, %slice3A_127, %slice3A_128, %slice3A_129, %slice3A_130, %slice3A_131, %slice3A_132 in 0 : vector<1x128xf32>, vector<1x128xf32>, vector<1x128xf32>, vector<1x128xf32>, vector<1x128xf32>, vector<1x128xf32>, vector<1x128xf32>, vector<1x128xf32> -> vector<8x128xf32>
      %mul3A_134 = arith.constant 8 : i32
      %mul3A_135 = arith.muli %arg0, %mul3A_134 : i32
      %swap3A_136 = arith.index_cast %mul3A_135 : i32 to index
      %swap3A_137 = arith.constant 0 : index
      %swap3A_138 = vector.load %arg15[%swap3A_136, %swap3A_137] : memref<392x128xf32, #tpu.memory_space<vmem>>, vector<8x128xf32>
      tpu.vector_store %arg15[%swap3A_136, %swap3A_137], %concatenate3A_133 {strides = array<i32>} : memref<392x128xf32, #tpu.memory_space<vmem>>, vector<8x128xf32>,
      %slice3A_139 = vector.extract_strided_slice %dot_general3A_70 {offsets = [2, 0], sizes = [1, 128], strides = [1, 1]} : vector<8x128xf32> to vector<1x128xf32>
      %slice3A_140 = vector.extract_strided_slice %dot_general3A_76 {offsets = [2, 0], sizes = [1, 128], strides = [1, 1]} : vector<8x128xf32> to vector<1x128xf32>
      %slice3A_141 = vector.extract_strided_slice %dot_general3A_82 {offsets = [2, 0], sizes = [1, 128], strides = [1, 1]} : vector<8x128xf32> to vector<1x128xf32>
      %slice3A_142 = vector.extract_strided_slice %dot_general3A_88 {offsets = [2, 0], sizes = [1, 128], strides = [1, 1]} : vector<8x128xf32> to vector<1x128xf32>
      %slice3A_143 = vector.extract_strided_slice %dot_general3A_94 {offsets = [2, 0], sizes = [1, 128], strides = [1, 1]} : vector<8x128xf32> to vector<1x128xf32>
      %slice3A_144 = vector.extract_strided_slice %dot_general3A_100 {offsets = [2, 0], sizes = [1, 128], strides = [1, 1]} : vector<8x128xf32> to vector<1x128xf32>
      %slice3A_145 = vector.extract_strided_slice %dot_general3A_106 {offsets = [2, 0], sizes = [1, 128], strides = [1, 1]} : vector<8x128xf32> to vector<1x128xf32>
      %slice3A_146 = vector.extract_strided_slice %dot_general3A_112 {offsets = [2, 0], sizes = [1, 128], strides = [1, 1]} : vector<8x128xf32> to vector<1x128xf32>
      %concatenate3A_147 = tpu.concatenate %slice3A_139, %slice3A_140, %slice3A_141, %slice3A_142, %slice3A_143, %slice3A_144, %slice3A_145, %slice3A_146 in 0 : vector<1x128xf32>, vector<1x128xf32>, vector<1x128xf32>, vector<1x128xf32>, vector<1x128xf32>, vector<1x128xf32>, vector<1x128xf32>, vector<1x128xf32> -> vector<8x128xf32>
      %mul3A_148 = arith.constant 8 : i32
      %mul3A_149 = arith.muli %arg0, %mul3A_148 : i32
      %swap3A_150 = arith.index_cast %mul3A_149 : i32 to index
      %swap3A_151 = arith.constant 0 : index
      %swap3A_152 = vector.load %arg16[%swap3A_150, %swap3A_151] : memref<392x128xf32, #tpu.memory_space<vmem>>, vector<8x128xf32>
      tpu.vector_store %arg16[%swap3A_150, %swap3A_151], %concatenate3A_147 {strides = array<i32>} : memref<392x128xf32, #tpu.memory_space<vmem>>, vector<8x128xf32>,
      %slice3A_153 = vector.extract_strided_slice %dot_general3A_70 {offsets = [3, 0], sizes = [1, 128], strides = [1, 1]} : vector<8x128xf32> to vector<1x128xf32>
      %slice3A_154 = vector.extract_strided_slice %dot_general3A_76 {offsets = [3, 0], sizes = [1, 128], strides = [1, 1]} : vector<8x128xf32> to vector<1x128xf32>
      %slice3A_155 = vector.extract_strided_slice %dot_general3A_82 {offsets = [3, 0], sizes = [1, 128], strides = [1, 1]} : vector<8x128xf32> to vector<1x128xf32>
      %slice3A_156 = vector.extract_strided_slice %dot_general3A_88 {offsets = [3, 0], sizes = [1, 128], strides = [1, 1]} : vector<8x128xf32> to vector<1x128xf32>
      %slice3A_157 = vector.extract_strided_slice %dot_general3A_94 {offsets = [3, 0], sizes = [1, 128], strides = [1, 1]} : vector<8x128xf32> to vector<1x128xf32>
      %slice3A_158 = vector.extract_strided_slice %dot_general3A_100 {offsets = [3, 0], sizes = [1, 128], strides = [1, 1]} : vector<8x128xf32> to vector<1x128xf32>
      %slice3A_159 = vector.extract_strided_slice %dot_general3A_106 {offsets = [3, 0], sizes = [1, 128], strides = [1, 1]} : vector<8x128xf32> to vector<1x128xf32>
      %slice3A_160 = vector.extract_strided_slice %dot_general3A_112 {offsets = [3, 0], sizes = [1, 128], strides = [1, 1]} : vector<8x128xf32> to vector<1x128xf32>
      %concatenate3A_161 = tpu.concatenate %slice3A_153, %slice3A_154, %slice3A_155, %slice3A_156, %slice3A_157, %slice3A_158, %slice3A_159, %slice3A_160 in 0 : vector<1x128xf32>, vector<1x128xf32>, vector<1x128xf32>, vector<1x128xf32>, vector<1x128xf32>, vector<1x128xf32>, vector<1x128xf32>, vector<1x128xf32> -> vector<8x128xf32>
      %mul3A_162 = arith.constant 8 : i32
      %mul3A_163 = arith.muli %arg0, %mul3A_162 : i32
      %swap3A_164 = arith.index_cast %mul3A_163 : i32 to index
      %swap3A_165 = arith.constant 0 : index
      %swap3A_166 = vector.load %arg17[%swap3A_164, %swap3A_165] : memref<392x128xf32, #tpu.memory_space<vmem>>, vector<8x128xf32>
      tpu.vector_store %arg17[%swap3A_164, %swap3A_165], %concatenate3A_161 {strides = array<i32>} : memref<392x128xf32, #tpu.memory_space<vmem>>, vector<8x128xf32>,
      %slice3A_167 = vector.extract_strided_slice %dot_general3A_70 {offsets = [4, 0], sizes = [1, 128], strides = [1, 1]} : vector<8x128xf32> to vector<1x128xf32>
      %slice3A_168 = vector.extract_strided_slice %dot_general3A_76 {offsets = [4, 0], sizes = [1, 128], strides = [1, 1]} : vector<8x128xf32> to vector<1x128xf32>
      %slice3A_169 = vector.extract_strided_slice %dot_general3A_82 {offsets = [4, 0], sizes = [1, 128], strides = [1, 1]} : vector<8x128xf32> to vector<1x128xf32>
      %slice3A_170 = vector.extract_strided_slice %dot_general3A_88 {offsets = [4, 0], sizes = [1, 128], strides = [1, 1]} : vector<8x128xf32> to vector<1x128xf32>
      %slice3A_171 = vector.extract_strided_slice %dot_general3A_94 {offsets = [4, 0], sizes = [1, 128], strides = [1, 1]} : vector<8x128xf32> to vector<1x128xf32>
      %slice3A_172 = vector.extract_strided_slice %dot_general3A_100 {offsets = [4, 0], sizes = [1, 128], strides = [1, 1]} : vector<8x128xf32> to vector<1x128xf32>
      %slice3A_173 = vector.extract_strided_slice %dot_general3A_106 {offsets = [4, 0], sizes = [1, 128], strides = [1, 1]} : vector<8x128xf32> to vector<1x128xf32>
      %slice3A_174 = vector.extract_strided_slice %dot_general3A_112 {offsets = [4, 0], sizes = [1, 128], strides = [1, 1]} : vector<8x128xf32> to vector<1x128xf32>
      %concatenate3A_175 = tpu.concatenate %slice3A_167, %slice3A_168, %slice3A_169, %slice3A_170, %slice3A_171, %slice3A_172, %slice3A_173, %slice3A_174 in 0 : vector<1x128xf32>, vector<1x128xf32>, vector<1x128xf32>, vector<1x128xf32>, vector<1x128xf32>, vector<1x128xf32>, vector<1x128xf32>, vector<1x128xf32> -> vector<8x128xf32>
      %mul3A_176 = arith.constant 8 : i32
      %mul3A_177 = arith.muli %arg0, %mul3A_176 : i32
      %swap3A_178 = arith.index_cast %mul3A_177 : i32 to index
      %swap3A_179 = arith.constant 0 : index
      %swap3A_180 = vector.load %arg18[%swap3A_178, %swap3A_179] : memref<392x128xf32, #tpu.memory_space<vmem>>, vector<8x128xf32>
      tpu.vector_store %arg18[%swap3A_178, %swap3A_179], %concatenate3A_175 {strides = array<i32>} : memref<392x128xf32, #tpu.memory_space<vmem>>, vector<8x128xf32>,
      %slice3A_181 = vector.extract_strided_slice %dot_general3A_70 {offsets = [5, 0], sizes = [1, 128], strides = [1, 1]} : vector<8x128xf32> to vector<1x128xf32>
      %slice3A_182 = vector.extract_strided_slice %dot_general3A_76 {offsets = [5, 0], sizes = [1, 128], strides = [1, 1]} : vector<8x128xf32> to vector<1x128xf32>
      %slice3A_183 = vector.extract_strided_slice %dot_general3A_82 {offsets = [5, 0], sizes = [1, 128], strides = [1, 1]} : vector<8x128xf32> to vector<1x128xf32>
      %slice3A_184 = vector.extract_strided_slice %dot_general3A_88 {offsets = [5, 0], sizes = [1, 128], strides = [1, 1]} : vector<8x128xf32> to vector<1x128xf32>
      %slice3A_185 = vector.extract_strided_slice %dot_general3A_94 {offsets = [5, 0], sizes = [1, 128], strides = [1, 1]} : vector<8x128xf32> to vector<1x128xf32>
      %slice3A_186 = vector.extract_strided_slice %dot_general3A_100 {offsets = [5, 0], sizes = [1, 128], strides = [1, 1]} : vector<8x128xf32> to vector<1x128xf32>
      %slice3A_187 = vector.extract_strided_slice %dot_general3A_106 {offsets = [5, 0], sizes = [1, 128], strides = [1, 1]} : vector<8x128xf32> to vector<1x128xf32>
      %slice3A_188 = vector.extract_strided_slice %dot_general3A_112 {offsets = [5, 0], sizes = [1, 128], strides = [1, 1]} : vector<8x128xf32> to vector<1x128xf32>
      %concatenate3A_189 = tpu.concatenate %slice3A_181, %slice3A_182, %slice3A_183, %slice3A_184, %slice3A_185, %slice3A_186, %slice3A_187, %slice3A_188 in 0 : vector<1x128xf32>, vector<1x128xf32>, vector<1x128xf32>, vector<1x128xf32>, vector<1x128xf32>, vector<1x128xf32>, vector<1x128xf32>, vector<1x128xf32> -> vector<8x128xf32>
      %mul3A_190 = arith.constant 8 : i32
      %mul3A_191 = arith.muli %arg0, %mul3A_190 : i32
      %swap3A_192 = arith.index_cast %mul3A_191 : i32 to index
      %swap3A_193 = arith.constant 0 : index
      %swap3A_194 = vector.load %arg19[%swap3A_192, %swap3A_193] : memref<392x128xf32, #tpu.memory_space<vmem>>, vector<8x128xf32>
      tpu.vector_store %arg19[%swap3A_192, %swap3A_193], %concatenate3A_189 {strides = array<i32>} : memref<392x128xf32, #tpu.memory_space<vmem>>, vector<8x128xf32>,
      %slice3A_195 = vector.extract_strided_slice %dot_general3A_70 {offsets = [6, 0], sizes = [1, 128], strides = [1, 1]} : vector<8x128xf32> to vector<1x128xf32>
      %slice3A_196 = vector.extract_strided_slice %dot_general3A_76 {offsets = [6, 0], sizes = [1, 128], strides = [1, 1]} : vector<8x128xf32> to vector<1x128xf32>
      %slice3A_197 = vector.extract_strided_slice %dot_general3A_82 {offsets = [6, 0], sizes = [1, 128], strides = [1, 1]} : vector<8x128xf32> to vector<1x128xf32>
      %slice3A_198 = vector.extract_strided_slice %dot_general3A_88 {offsets = [6, 0], sizes = [1, 128], strides = [1, 1]} : vector<8x128xf32> to vector<1x128xf32>
      %slice3A_199 = vector.extract_strided_slice %dot_general3A_94 {offsets = [6, 0], sizes = [1, 128], strides = [1, 1]} : vector<8x128xf32> to vector<1x128xf32>
      %slice3A_200 = vector.extract_strided_slice %dot_general3A_100 {offsets = [6, 0], sizes = [1, 128], strides = [1, 1]} : vector<8x128xf32> to vector<1x128xf32>
      %slice3A_201 = vector.extract_strided_slice %dot_general3A_106 {offsets = [6, 0], sizes = [1, 128], strides = [1, 1]} : vector<8x128xf32> to vector<1x128xf32>
      %slice3A_202 = vector.extract_strided_slice %dot_general3A_112 {offsets = [6, 0], sizes = [1, 128], strides = [1, 1]} : vector<8x128xf32> to vector<1x128xf32>
      %concatenate3A_203 = tpu.concatenate %slice3A_195, %slice3A_196, %slice3A_197, %slice3A_198, %slice3A_199, %slice3A_200, %slice3A_201, %slice3A_202 in 0 : vector<1x128xf32>, vector<1x128xf32>, vector<1x128xf32>, vector<1x128xf32>, vector<1x128xf32>, vector<1x128xf32>, vector<1x128xf32>, vector<1x128xf32> -> vector<8x128xf32>
      %mul3A_204 = arith.constant 8 : i32
      %mul3A_205 = arith.muli %arg0, %mul3A_204 : i32
      %swap3A_206 = arith.index_cast %mul3A_205 : i32 to index
      %swap3A_207 = arith.constant 0 : index
      %swap3A_208 = vector.load %arg20[%swap3A_206, %swap3A_207] : memref<392x128xf32, #tpu.memory_space<vmem>>, vector<8x128xf32>
      tpu.vector_store %arg20[%swap3A_206, %swap3A_207], %concatenate3A_203 {strides = array<i32>} : memref<392x128xf32, #tpu.memory_space<vmem>>, vector<8x128xf32>,
    } else {
    }
    %eq3A = arith.constant 49 : i32
    %eq3A_2 = arith.cmpi eq, %arg0, %eq3A : i32
    %convert_element_type3A_3 = arith.extui %eq3A_2 : i1 to i32
    %cond3A_4 = arith.constant 0 : i32
    %cond3A_5 = arith.cmpi ne, %convert_element_type3A_3, %cond3A_4 : i32
    scf.if %cond3A_5 {
      %get3A = arith.constant 0 : index
      %get3A_6 = arith.constant 0 : index
      %get3A_7 = vector.load %arg14[%get3A, %get3A_6] : memref<392x128xf32, #tpu.memory_space<vmem>>, vector<392x128xf32>
      %get3A_8 = arith.constant 0 : index
      %get3A_9 = arith.constant 0 : index
      %get3A_10 = vector.load %arg15[%get3A_8, %get3A_9] : memref<392x128xf32, #tpu.memory_space<vmem>>, vector<392x128xf32>
      %get3A_11 = arith.constant 0 : index
      %get3A_12 = arith.constant 0 : index
      %get3A_13 = vector.load %arg16[%get3A_11, %get3A_12] : memref<392x128xf32, #tpu.memory_space<vmem>>, vector<392x128xf32>
      %get3A_14 = arith.constant 0 : index
      %get3A_15 = arith.constant 0 : index
      %get3A_16 = vector.load %arg17[%get3A_14, %get3A_15] : memref<392x128xf32, #tpu.memory_space<vmem>>, vector<392x128xf32>
      %get3A_17 = arith.constant 0 : index
      %get3A_18 = arith.constant 0 : index
      %get3A_19 = vector.load %arg18[%get3A_17, %get3A_18] : memref<392x128xf32, #tpu.memory_space<vmem>>, vector<392x128xf32>
      %get3A_20 = arith.constant 0 : index
      %get3A_21 = arith.constant 0 : index
      %get3A_22 = vector.load %arg19[%get3A_20, %get3A_21] : memref<392x128xf32, #tpu.memory_space<vmem>>, vector<392x128xf32>
      %get3A_23 = arith.constant 0 : index
      %get3A_24 = arith.constant 0 : index
      %get3A_25 = vector.load %arg20[%get3A_23, %get3A_24] : memref<392x128xf32, #tpu.memory_space<vmem>>, vector<392x128xf32>
      %iota3A = tpu.iota {dimensions = array<i32: 0>} : vector<392x128xi32>
      %iota3A_26 = tpu.iota {dimensions = array<i32: 1>} : vector<392x128xi32>
      %mul3A = arith.constant 128 : i32
      %mul3A_27 = vector.broadcast %mul3A : i32 to vector<392x128xi32>
      %mul3A_28 = arith.muli %iota3A, %mul3A_27 : vector<392x128xi32>
      %add3A = arith.addi %mul3A_28, %iota3A_26 : vector<392x128xi32>
      %lt3A_29 = arith.constant 50000 : i32
      %lt3A_30 = vector.broadcast %lt3A_29 : i32 to vector<392x128xi32>
      %lt3A_31 = arith.cmpi slt, %add3A, %lt3A_30 : vector<392x128xi32>
      %jit3A = arith.constant 0xFF800000 : f32
      %broadcast_in_dim3A = vector.broadcast %jit3A : f32 to vector<392x128xf32>
      %select_n3A = arith.select %lt3A_31, %get3A_7, %broadcast_in_dim3A : vector<392x128xi1>, vector<392x128xf32>
      %reduce_max3A = vector.shape_cast %select_n3A : vector<392x128xf32> to vector<1x392x128xf32>
      %reduce_max3A_32 = arith.constant dense<0xFF800000> : vector<1xf32>
      %reduce_max3A_33 = vector.multi_reduction <maximumf>, %reduce_max3A, %reduce_max3A_32 [1, 2] : vector<1x392x128xf32> to vector<1xf32>
      %reduce_max3A_34 = vector.shape_cast %reduce_max3A_33 : vector<1xf32> to vector<1x1x1xf32>
      %reduce_max3A_35 = vector.extract %reduce_max3A_34[0, 0, 0] : f32 from vector<1x1x1xf32>
      %jit3A_36 = arith.constant 0xFF800000 : f32
      %broadcast_in_dim3A_37 = vector.broadcast %jit3A_36 : f32 to vector<392x128xf32>
      %select_n3A_38 = arith.select %lt3A_31, %get3A_10, %broadcast_in_dim3A_37 : vector<392x128xi1>, vector<392x128xf32>
      %reduce_max3A_39 = vector.shape_cast %select_n3A_38 : vector<392x128xf32> to vector<1x392x128xf32>
      %reduce_max3A_40 = arith.constant dense<0xFF800000> : vector<1xf32>
      %reduce_max3A_41 = vector.multi_reduction <maximumf>, %reduce_max3A_39, %reduce_max3A_40 [1, 2] : vector<1x392x128xf32> to vector<1xf32>
      %reduce_max3A_42 = vector.shape_cast %reduce_max3A_41 : vector<1xf32> to vector<1x1x1xf32>
      %reduce_max3A_43 = vector.extract %reduce_max3A_42[0, 0, 0] : f32 from vector<1x1x1xf32>
      %sub3A = vector.broadcast %reduce_max3A_35 : f32 to vector<392x128xf32>
      %sub3A_44 = arith.subf %get3A_7, %sub3A : vector<392x128xf32>
      %exp3A = math.exp %sub3A_44 : vector<392x128xf32>
      %sub3A_45 = vector.broadcast %reduce_max3A_43 : f32 to vector<392x128xf32>
      %sub3A_46 = arith.subf %get3A_10, %sub3A_45 : vector<392x128xf32>
      %exp3A_47 = math.exp %sub3A_46 : vector<392x128xf32>
      %jit3A_48 = arith.constant 0.000000e+00 : f32
      %broadcast_in_dim3A_49 = vector.broadcast %jit3A_48 : f32 to vector<392x128xf32>
      %select_n3A_50 = arith.select %lt3A_31, %exp3A, %broadcast_in_dim3A_49 : vector<392x128xi1>, vector<392x128xf32>
      %reduce_sum3A = vector.shape_cast %select_n3A_50 : vector<392x128xf32> to vector<1x392x128xf32>
      %reduce_sum3A_51 = arith.constant dense<0.000000e+00> : vector<1xf32>
      %reduce_sum3A_52 = vector.multi_reduction <add>, %reduce_sum3A, %reduce_sum3A_51 [1, 2] : vector<1x392x128xf32> to vector<1xf32>
      %reduce_sum3A_53 = vector.shape_cast %reduce_sum3A_52 : vector<1xf32> to vector<1x1x1xf32>
      %reduce_sum3A_54 = vector.extract %reduce_sum3A_53[0, 0, 0] : f32 from vector<1x1x1xf32>
      %div3A = vector.broadcast %reduce_sum3A_54 : f32 to vector<392x128xf32>
      %div3A_55 = arith.divf %exp3A, %div3A : vector<392x128xf32>
      %jit3A_56 = arith.constant 0.000000e+00 : f32
      %broadcast_in_dim3A_57 = vector.broadcast %jit3A_56 : f32 to vector<392x128xf32>
      %select_n3A_58 = arith.select %lt3A_31, %exp3A_47, %broadcast_in_dim3A_57 : vector<392x128xi1>, vector<392x128xf32>
      %reduce_sum3A_59 = vector.shape_cast %select_n3A_58 : vector<392x128xf32> to vector<1x392x128xf32>
      %reduce_sum3A_60 = arith.constant dense<0.000000e+00> : vector<1xf32>
      %reduce_sum3A_61 = vector.multi_reduction <add>, %reduce_sum3A_59, %reduce_sum3A_60 [1, 2] : vector<1x392x128xf32> to vector<1xf32>
      %reduce_sum3A_62 = vector.shape_cast %reduce_sum3A_61 : vector<1xf32> to vector<1x1x1xf32>
      %reduce_sum3A_63 = vector.extract %reduce_sum3A_62[0, 0, 0] : f32 from vector<1x1x1xf32>
      %div3A_64 = vector.broadcast %reduce_sum3A_63 : f32 to vector<392x128xf32>
      %div3A_65 = arith.divf %exp3A_47, %div3A_64 : vector<392x128xf32>
      %sub3A_66 = arith.subf %get3A_13, %get3A_16 : vector<392x128xf32>
      %logistic3A = arith.negf %sub3A_66 : vector<392x128xf32>
      %logistic3A_67 = math.exp %logistic3A : vector<392x128xf32>
      %logistic3A_68 = arith.constant 1.000000e+00 : f32
      %logistic3A_69 = vector.broadcast %logistic3A_68 : f32 to vector<392x128xf32>
      %logistic3A_70 = arith.addf %logistic3A_69, %logistic3A_67 : vector<392x128xf32>
      %logistic3A_71 = arith.divf %logistic3A_69, %logistic3A_70 : vector<392x128xf32>
      %mul3A_72 = arith.mulf %logistic3A_71, %div3A_55 : vector<392x128xf32>
      %sub3A_73 = arith.constant 1.000000e+00 : f32
      %sub3A_74 = vector.broadcast %sub3A_73 : f32 to vector<392x128xf32>
      %sub3A_75 = arith.subf %sub3A_74, %logistic3A_71 : vector<392x128xf32>
      %mul3A_76 = arith.mulf %sub3A_75, %div3A_65 : vector<392x128xf32>
      %jit3A_77 = arith.constant 0.000000e+00 : f32
      %broadcast_in_dim3A_78 = vector.broadcast %jit3A_77 : f32 to vector<392x128xf32>
      %select_n3A_79 = arith.select %lt3A_31, %mul3A_72, %broadcast_in_dim3A_78 : vector<392x128xi1>, vector<392x128xf32>
      %reduce_sum3A_80 = vector.shape_cast %select_n3A_79 : vector<392x128xf32> to vector<1x392x128xf32>
      %reduce_sum3A_81 = arith.constant dense<0.000000e+00> : vector<1xf32>
      %reduce_sum3A_82 = vector.multi_reduction <add>, %reduce_sum3A_80, %reduce_sum3A_81 [1, 2] : vector<1x392x128xf32> to vector<1xf32>
      %reduce_sum3A_83 = vector.shape_cast %reduce_sum3A_82 : vector<1xf32> to vector<1x1x1xf32>
      %reduce_sum3A_84 = vector.extract %reduce_sum3A_83[0, 0, 0] : f32 from vector<1x1x1xf32>
      %jit3A_85 = arith.constant 1.000000e-10 : f32
      %jit3A_86 = arith.constant 1.000000e+00 : f32
      %max3A = arith.maximumf %jit3A_85, %reduce_sum3A_84 : f32
      %min3A = arith.minimumf %jit3A_86, %max3A : f32
      %jit3A_87 = arith.constant 0.000000e+00 : f32
      %broadcast_in_dim3A_88 = vector.broadcast %jit3A_87 : f32 to vector<392x128xf32>
      %select_n3A_89 = arith.select %lt3A_31, %mul3A_76, %broadcast_in_dim3A_88 : vector<392x128xi1>, vector<392x128xf32>
      %reduce_sum3A_90 = vector.shape_cast %select_n3A_89 : vector<392x128xf32> to vector<1x392x128xf32>
      %reduce_sum3A_91 = arith.constant dense<0.000000e+00> : vector<1xf32>
      %reduce_sum3A_92 = vector.multi_reduction <add>, %reduce_sum3A_90, %reduce_sum3A_91 [1, 2] : vector<1x392x128xf32> to vector<1xf32>
      %reduce_sum3A_93 = vector.shape_cast %reduce_sum3A_92 : vector<1xf32> to vector<1x1x1xf32>
      %reduce_sum3A_94 = vector.extract %reduce_sum3A_93[0, 0, 0] : f32 from vector<1x1x1xf32>
      %jit3A_95 = arith.constant 1.000000e-10 : f32
      %jit3A_96 = arith.constant 1.000000e+00 : f32
      %max3A_97 = arith.maximumf %jit3A_95, %reduce_sum3A_94 : f32
      %min3A_98 = arith.minimumf %jit3A_96, %max3A_97 : f32
      %max3A_99 = arith.maximumf %get3A_22, %get3A_25 : vector<392x128xf32>
      %max3A_100 = arith.maximumf %get3A_19, %max3A_99 : vector<392x128xf32>
      %sub3A_101 = arith.subf %get3A_19, %max3A_100 : vector<392x128xf32>
      %exp3A_102 = math.exp %sub3A_101 : vector<392x128xf32>
      %sub3A_103 = arith.subf %get3A_22, %max3A_100 : vector<392x128xf32>
      %exp3A_104 = math.exp %sub3A_103 : vector<392x128xf32>
      %add3A_105 = arith.addf %exp3A_102, %exp3A_104 : vector<392x128xf32>
      %sub3A_106 = arith.subf %get3A_25, %max3A_100 : vector<392x128xf32>
      %exp3A_107 = math.exp %sub3A_106 : vector<392x128xf32>
      %add3A_108 = arith.addf %add3A_105, %exp3A_107 : vector<392x128xf32>
      %log3A = math.log %add3A_108 : vector<392x128xf32>
      %add3A_109 = arith.addf %max3A_100, %log3A : vector<392x128xf32>
      %get3A_110 = arith.constant 0 : index
      %get3A_111 = memref.load %arg1[%get3A_110] : memref<1xi32, #tpu.memory_space<smem>>
      %eq3A_112 = arith.constant 0 : i32
      %eq3A_113 = arith.cmpi eq, %get3A_111, %eq3A_112 : i32
      %select_n3A_114 = arith.select %eq3A_113, %get3A_19, %get3A_22 : vector<392x128xf32>
      %sub3A_115 = arith.subf %add3A_109, %select_n3A_114 : vector<392x128xf32>
      %sub3A_116 = arith.subf %add3A_109, %get3A_25 : vector<392x128xf32>
      %eq3A_117 = arith.constant 0 : i32
      %eq3A_118 = arith.cmpi eq, %get3A_111, %eq3A_117 : i32
      %select_n3A_119 = arith.select %eq3A_118, %mul3A_72, %mul3A_76 : vector<392x128xf32>
      %jit3A_120 = arith.constant 0x7F800000 : f32
      %broadcast_in_dim3A_121 = vector.broadcast %jit3A_120 : f32 to vector<392x128xf32>
      %select_n3A_122 = arith.select %lt3A_31, %select_n3A_119, %broadcast_in_dim3A_121 : vector<392x128xi1>, vector<392x128xf32>
      %reduce_min3A = vector.shape_cast %select_n3A_122 : vector<392x128xf32> to vector<1x392x128xf32>
      %reduce_min3A_123 = arith.constant dense<0x7F800000> : vector<1xf32>
      %reduce_min3A_124 = vector.multi_reduction <minimumf>, %reduce_min3A, %reduce_min3A_123 [1, 2] : vector<1x392x128xf32> to vector<1xf32>
      %reduce_min3A_125 = vector.shape_cast %reduce_min3A_124 : vector<1xf32> to vector<1x1x1xf32>
      %reduce_min3A_126 = vector.extract %reduce_min3A_125[0, 0, 0] : f32 from vector<1x1x1xf32>
      %jit3A_127 = arith.constant 0xFF800000 : f32
      %broadcast_in_dim3A_128 = vector.broadcast %jit3A_127 : f32 to vector<392x128xf32>
      %select_n3A_129 = arith.select %lt3A_31, %select_n3A_119, %broadcast_in_dim3A_128 : vector<392x128xi1>, vector<392x128xf32>
      %reduce_max3A_130 = vector.shape_cast %select_n3A_129 : vector<392x128xf32> to vector<1x392x128xf32>
      %reduce_max3A_131 = arith.constant dense<0xFF800000> : vector<1xf32>
      %reduce_max3A_132 = vector.multi_reduction <maximumf>, %reduce_max3A_130, %reduce_max3A_131 [1, 2] : vector<1x392x128xf32> to vector<1xf32>
      %reduce_max3A_133 = vector.shape_cast %reduce_max3A_132 : vector<1xf32> to vector<1x1x1xf32>
      %reduce_max3A_134 = vector.extract %reduce_max3A_133[0, 0, 0] : f32 from vector<1x1x1xf32>
      %sub3A_135 = vector.broadcast %reduce_min3A_126 : f32 to vector<392x128xf32>
      %sub3A_136 = arith.subf %select_n3A_119, %sub3A_135 : vector<392x128xf32>
      %sub3A_137 = arith.subf %reduce_max3A_134, %reduce_min3A_126 : f32
      %div3A_138 = vector.broadcast %sub3A_137 : f32 to vector<392x128xf32>
      %div3A_139 = arith.divf %sub3A_136, %div3A_138 : vector<392x128xf32>
      %jit3A_140 = arith.constant -1.000000e+00 : f32
      %broadcast_in_dim3A_141 = vector.broadcast %jit3A_140 : f32 to vector<392x128xf32>
      %select_n3A_142 = arith.select %lt3A_31, %div3A_139, %broadcast_in_dim3A_141 : vector<392x128xi1>, vector<392x128xf32>
      %bitcast_convert_type3A = tpu.bitcast %select_n3A_142 : vector<392x128xf32> -> vector<392x128xi32>
      %jit3A_143 = arith.constant -1 : i32
      %broadcast_in_dim3A_144 = vector.broadcast %jit3A_143 : i32 to vector<392x128xi32>
      %select_n3A_145 = arith.select %lt3A_31, %bitcast_convert_type3A, %broadcast_in_dim3A_144 : vector<392x128xi1>, vector<392x128xi32>
      %add3A_146 = arith.addf %mul3A_72, %mul3A_76 : vector<392x128xf32>
      %mul3A_147 = arith.constant 5.000000e-01 : f32
      %mul3A_148 = vector.broadcast %mul3A_147 : f32 to vector<392x128xf32>
      %mul3A_149 = arith.mulf %add3A_146, %mul3A_148 : vector<392x128xf32>
      %jit3A_150 = arith.constant 0x7F800000 : f32
      %broadcast_in_dim3A_151 = vector.broadcast %jit3A_150 : f32 to vector<392x128xf32>
      %select_n3A_152 = arith.select %lt3A_31, %mul3A_149, %broadcast_in_dim3A_151 : vector<392x128xi1>, vector<392x128xf32>
      %add3A_153 = arith.addf %mul3A_72, %mul3A_76 : vector<392x128xf32>
      %mul3A_154 = arith.constant 5.000000e-01 : f32
      %mul3A_155 = vector.broadcast %mul3A_154 : f32 to vector<392x128xf32>
      %mul3A_156 = arith.mulf %add3A_153, %mul3A_155 : vector<392x128xf32>
      %bitcast_convert_type3A_157 = tpu.bitcast %mul3A_156 : vector<392x128xf32> -> vector<392x128xi32>
      %jit3A_158 = arith.constant 2139095040 : i32
      %broadcast_in_dim3A_159 = vector.broadcast %jit3A_158 : i32 to vector<392x128xi32>
      %select_n3A_160 = arith.select %lt3A_31, %bitcast_convert_type3A_157, %broadcast_in_dim3A_159 : vector<392x128xi1>, vector<392x128xi32>
      %scan3A = arith.constant 0 : i32
      %scan3A_161 = arith.constant 1065353217 : i32
      %scan3A_162 = arith.constant -1 : i32
      %scan3A_163 = arith.constant 2139095040 : i32
      %scan3A_164 = arith.constant 0 : i32
      %scan3A_165 = arith.constant 32 : i32
      %scan3A_166 = arith.addi %scan3A_164, %scan3A_165 : i32
      %scan3A_167 = arith.constant 1 : i32
      %scan3A_168:4 = scf.for %scan3A_354 = %scan3A_164 to %scan3A_166 step %scan3A_167 iter_args(%scan3A_355 = %scan3A, %scan3A_356 = %scan3A_161, %scan3A_357 = %scan3A_162, %scan3A_358 = %scan3A_163) -> (i32, i32, i32, i32)  : i32 {
        %sub3A_359 = arith.subi %scan3A_356, %scan3A_355 : i32
        %jit3A_360 = arith.constant 2 : i32
        %div3A_361 = arith.divsi %sub3A_359, %jit3A_360 : i32
        %sign3A = arith.constant 0 : i32
        %sign3A_362 = arith.cmpi sgt, %sub3A_359, %sign3A : i32
        %sign3A_363 = arith.extui %sign3A_362 : i1 to i32
        %sign3A_364 = arith.constant 0 : i32
        %sign3A_365 = arith.cmpi slt, %sub3A_359, %sign3A_364 : i32
        %sign3A_366 = arith.extui %sign3A_365 : i1 to i32
        %sign3A_367 = arith.subi %sign3A_363, %sign3A_366 : i32
        %sign3A_368 = arith.constant 0 : i32
        %sign3A_369 = arith.cmpi sgt, %jit3A_360, %sign3A_368 : i32
        %sign3A_370 = arith.extui %sign3A_369 : i1 to i32
        %sign3A_371 = arith.constant 0 : i32
        %sign3A_372 = arith.cmpi slt, %jit3A_360, %sign3A_371 : i32
        %sign3A_373 = arith.extui %sign3A_372 : i1 to i32
        %sign3A_374 = arith.subi %sign3A_370, %sign3A_373 : i32
        %ne3A = arith.cmpi ne, %sign3A_367, %sign3A_374 : i32
        %rem3A = arith.remsi %sub3A_359, %jit3A_360 : i32
        %ne3A_375 = arith.constant 0 : i32
        %ne3A_376 = arith.cmpi ne, %rem3A, %ne3A_375 : i32
        %and3A = arith.andi %ne3A, %ne3A_376 : i1
        %sub3A_377 = arith.constant 1 : i32
        %sub3A_378 = arith.subi %div3A_361, %sub3A_377 : i32
        %select_n3A_379 = arith.select %and3A, %sub3A_378, %div3A_361 : i32
        %add3A_380 = arith.addi %scan3A_355, %select_n3A_379 : i32
        %sub3A_381 = arith.subi %scan3A_358, %scan3A_357 : i32
        %jit3A_382 = arith.constant 2 : i32
        %div3A_383 = arith.divsi %sub3A_381, %jit3A_382 : i32
        %sign3A_384 = arith.constant 0 : i32
        %sign3A_385 = arith.cmpi sgt, %sub3A_381, %sign3A_384 : i32
        %sign3A_386 = arith.extui %sign3A_385 : i1 to i32
        %sign3A_387 = arith.constant 0 : i32
        %sign3A_388 = arith.cmpi slt, %sub3A_381, %sign3A_387 : i32
        %sign3A_389 = arith.extui %sign3A_388 : i1 to i32
        %sign3A_390 = arith.subi %sign3A_386, %sign3A_389 : i32
        %sign3A_391 = arith.constant 0 : i32
        %sign3A_392 = arith.cmpi sgt, %jit3A_382, %sign3A_391 : i32
        %sign3A_393 = arith.extui %sign3A_392 : i1 to i32
        %sign3A_394 = arith.constant 0 : i32
        %sign3A_395 = arith.cmpi slt, %jit3A_382, %sign3A_394 : i32
        %sign3A_396 = arith.extui %sign3A_395 : i1 to i32
        %sign3A_397 = arith.subi %sign3A_393, %sign3A_396 : i32
        %ne3A_398 = arith.cmpi ne, %sign3A_390, %sign3A_397 : i32
        %rem3A_399 = arith.remsi %sub3A_381, %jit3A_382 : i32
        %ne3A_400 = arith.constant 0 : i32
        %ne3A_401 = arith.cmpi ne, %rem3A_399, %ne3A_400 : i32
        %and3A_402 = arith.andi %ne3A_398, %ne3A_401 : i1
        %sub3A_403 = arith.constant 1 : i32
        %sub3A_404 = arith.subi %div3A_383, %sub3A_403 : i32
        %select_n3A_405 = arith.select %and3A_402, %sub3A_404, %div3A_383 : i32
        %add3A_406 = arith.addi %scan3A_357, %select_n3A_405 : i32
        %ge3A = vector.broadcast %add3A_380 : i32 to vector<392x128xi32>
        %ge3A_407 = arith.cmpi sge, %select_n3A_145, %ge3A : vector<392x128xi32>
        %jit3A_408 = arith.constant 1.000000e+00 : f32
        %jit3A_409 = arith.constant 0.000000e+00 : f32
        %broadcast_in_dim3A_410 = vector.broadcast %jit3A_408 : f32 to vector<392x128xf32>
        %broadcast_in_dim3A_411 = vector.broadcast %jit3A_409 : f32 to vector<392x128xf32>
        %select_n3A_412 = arith.select %ge3A_407, %broadcast_in_dim3A_410, %broadcast_in_dim3A_411 : vector<392x128xi1>, vector<392x128xf32>
        %reduce_sum3A_413 = vector.shape_cast %select_n3A_412 : vector<392x128xf32> to vector<1x392x128xf32>
        %reduce_sum3A_414 = arith.constant dense<0.000000e+00> : vector<1xf32>
        %reduce_sum3A_415 = vector.multi_reduction <add>, %reduce_sum3A_413, %reduce_sum3A_414 [1, 2] : vector<1x392x128xf32> to vector<1xf32>
        %reduce_sum3A_416 = vector.shape_cast %reduce_sum3A_415 : vector<1xf32> to vector<1x1x1xf32>
        %reduce_sum3A_417 = vector.extract %reduce_sum3A_416[0, 0, 0] : f32 from vector<1x1x1xf32>
        %le3A = vector.broadcast %add3A_406 : i32 to vector<392x128xi32>
        %le3A_418 = arith.cmpi sle, %select_n3A_160, %le3A : vector<392x128xi32>
        %jit3A_419 = arith.constant 1.000000e+00 : f32
        %jit3A_420 = arith.constant 0.000000e+00 : f32
        %broadcast_in_dim3A_421 = vector.broadcast %jit3A_419 : f32 to vector<392x128xf32>
        %broadcast_in_dim3A_422 = vector.broadcast %jit3A_420 : f32 to vector<392x128xf32>
        %select_n3A_423 = arith.select %le3A_418, %broadcast_in_dim3A_421, %broadcast_in_dim3A_422 : vector<392x128xi1>, vector<392x128xf32>
        %reduce_sum3A_424 = vector.shape_cast %select_n3A_423 : vector<392x128xf32> to vector<1x392x128xf32>
        %reduce_sum3A_425 = arith.constant dense<0.000000e+00> : vector<1xf32>
        %reduce_sum3A_426 = vector.multi_reduction <add>, %reduce_sum3A_424, %reduce_sum3A_425 [1, 2] : vector<1x392x128xf32> to vector<1xf32>
        %reduce_sum3A_427 = vector.shape_cast %reduce_sum3A_426 : vector<1xf32> to vector<1x1x1xf32>
        %reduce_sum3A_428 = vector.extract %reduce_sum3A_427[0, 0, 0] : f32 from vector<1x1x1xf32>
        %ge3A_429 = arith.constant 5.000000e+02 : f32
        %ge3A_430 = arith.cmpf oge, %reduce_sum3A_417, %ge3A_429 : f32
        %select_n3A_431 = arith.select %ge3A_430, %add3A_380, %scan3A_355 : i32
        %ge3A_432 = arith.constant 5.000000e+02 : f32
        %ge3A_433 = arith.cmpf oge, %reduce_sum3A_417, %ge3A_432 : f32
        %select_n3A_434 = arith.select %ge3A_433, %scan3A_356, %add3A_380 : i32
        %ge3A_435 = arith.constant 5.000000e+02 : f32
        %ge3A_436 = arith.cmpf oge, %reduce_sum3A_428, %ge3A_435 : f32
        %select_n3A_437 = arith.select %ge3A_436, %scan3A_357, %add3A_406 : i32
        %ge3A_438 = arith.constant 5.000000e+02 : f32
        %ge3A_439 = arith.cmpf oge, %reduce_sum3A_428, %ge3A_438 : f32
        %select_n3A_440 = arith.select %ge3A_439, %add3A_406, %scan3A_358 : i32
        scf.yield %select_n3A_431, %select_n3A_434, %select_n3A_437, %select_n3A_440 : i32, i32, i32, i32
      }
      %bitcast_convert_type3A_169 = arith.bitcast %scan3A_168#0 : i32 to f32
      %bitcast_convert_type3A_170 = arith.bitcast %scan3A_168#3 : i32 to f32
      %gt3A = vector.broadcast %bitcast_convert_type3A_169 : f32 to vector<392x128xf32>
      %gt3A_171 = arith.cmpf ogt, %select_n3A_142, %gt3A : vector<392x128xf32>
      %jit3A_172 = arith.constant 1.000000e+00 : f32
      %jit3A_173 = arith.constant 0.000000e+00 : f32
      %broadcast_in_dim3A_174 = vector.broadcast %jit3A_172 : f32 to vector<392x128xf32>
      %broadcast_in_dim3A_175 = vector.broadcast %jit3A_173 : f32 to vector<392x128xf32>
      %select_n3A_176 = arith.select %gt3A_171, %broadcast_in_dim3A_174, %broadcast_in_dim3A_175 : vector<392x128xi1>, vector<392x128xf32>
      %reduce_sum3A_177 = vector.shape_cast %select_n3A_176 : vector<392x128xf32> to vector<1x392x128xf32>
      %reduce_sum3A_178 = arith.constant dense<0.000000e+00> : vector<1xf32>
      %reduce_sum3A_179 = vector.multi_reduction <add>, %reduce_sum3A_177, %reduce_sum3A_178 [1, 2] : vector<1x392x128xf32> to vector<1xf32>
      %reduce_sum3A_180 = vector.shape_cast %reduce_sum3A_179 : vector<1xf32> to vector<1x1x1xf32>
      %reduce_sum3A_181 = vector.extract %reduce_sum3A_180[0, 0, 0] : f32 from vector<1x1x1xf32>
      %sub3A_182 = arith.constant 5.000000e+02 : f32
      %sub3A_183 = arith.subf %sub3A_182, %reduce_sum3A_181 : f32
      %eq3A_184 = vector.broadcast %bitcast_convert_type3A_169 : f32 to vector<392x128xf32>
      %eq3A_185 = arith.cmpf oeq, %select_n3A_142, %eq3A_184 : vector<392x128xf32>
      %jit3A_186 = arith.constant 50176 : i32
      %broadcast_in_dim3A_187 = vector.broadcast %jit3A_186 : i32 to vector<392x128xi32>
      %select_n3A_188 = arith.select %eq3A_185, %add3A, %broadcast_in_dim3A_187 : vector<392x128xi1>, vector<392x128xi32>
      %lt3A_189 = vector.broadcast %bitcast_convert_type3A_170 : f32 to vector<392x128xf32>
      %lt3A_190 = arith.cmpf olt, %select_n3A_152, %lt3A_189 : vector<392x128xf32>
      %jit3A_191 = arith.constant 1.000000e+00 : f32
      %jit3A_192 = arith.constant 0.000000e+00 : f32
      %broadcast_in_dim3A_193 = vector.broadcast %jit3A_191 : f32 to vector<392x128xf32>
      %broadcast_in_dim3A_194 = vector.broadcast %jit3A_192 : f32 to vector<392x128xf32>
      %select_n3A_195 = arith.select %lt3A_190, %broadcast_in_dim3A_193, %broadcast_in_dim3A_194 : vector<392x128xi1>, vector<392x128xf32>
      %reduce_sum3A_196 = vector.shape_cast %select_n3A_195 : vector<392x128xf32> to vector<1x392x128xf32>
      %reduce_sum3A_197 = arith.constant dense<0.000000e+00> : vector<1xf32>
      %reduce_sum3A_198 = vector.multi_reduction <add>, %reduce_sum3A_196, %reduce_sum3A_197 [1, 2] : vector<1x392x128xf32> to vector<1xf32>
      %reduce_sum3A_199 = vector.shape_cast %reduce_sum3A_198 : vector<1xf32> to vector<1x1x1xf32>
      %reduce_sum3A_200 = vector.extract %reduce_sum3A_199[0, 0, 0] : f32 from vector<1x1x1xf32>
      %sub3A_201 = arith.constant 5.000000e+02 : f32
      %sub3A_202 = arith.subf %sub3A_201, %reduce_sum3A_200 : f32
      %eq3A_203 = vector.broadcast %bitcast_convert_type3A_170 : f32 to vector<392x128xf32>
      %eq3A_204 = arith.cmpf oeq, %select_n3A_152, %eq3A_203 : vector<392x128xf32>
      %jit3A_205 = arith.constant 50176 : i32
      %broadcast_in_dim3A_206 = vector.broadcast %jit3A_205 : i32 to vector<392x128xi32>
      %select_n3A_207 = arith.select %eq3A_204, %add3A, %broadcast_in_dim3A_206 : vector<392x128xi1>, vector<392x128xi32>
      %scan3A_208 = arith.constant 0 : i32
      %scan3A_209 = arith.constant 50176 : i32
      %scan3A_210 = arith.constant 0 : i32
      %scan3A_211 = arith.constant 50176 : i32
      %scan3A_212 = arith.constant 0 : i32
      %scan3A_213 = arith.constant 17 : i32
      %scan3A_214 = arith.addi %scan3A_212, %scan3A_213 : i32
      %scan3A_215 = arith.constant 1 : i32
      %scan3A_216:4 = scf.for %scan3A_354 = %scan3A_212 to %scan3A_214 step %scan3A_215 iter_args(%scan3A_355 = %scan3A_208, %scan3A_356 = %scan3A_209, %scan3A_357 = %scan3A_210, %scan3A_358 = %scan3A_211) -> (i32, i32, i32, i32)  : i32 {
        %sub3A_359 = arith.subi %scan3A_356, %scan3A_355 : i32
        %jit3A_360 = arith.constant 2 : i32
        %div3A_361 = arith.divsi %sub3A_359, %jit3A_360 : i32
        %sign3A = arith.constant 0 : i32
        %sign3A_362 = arith.cmpi sgt, %sub3A_359, %sign3A : i32
        %sign3A_363 = arith.extui %sign3A_362 : i1 to i32
        %sign3A_364 = arith.constant 0 : i32
        %sign3A_365 = arith.cmpi slt, %sub3A_359, %sign3A_364 : i32
        %sign3A_366 = arith.extui %sign3A_365 : i1 to i32
        %sign3A_367 = arith.subi %sign3A_363, %sign3A_366 : i32
        %sign3A_368 = arith.constant 0 : i32
        %sign3A_369 = arith.cmpi sgt, %jit3A_360, %sign3A_368 : i32
        %sign3A_370 = arith.extui %sign3A_369 : i1 to i32
        %sign3A_371 = arith.constant 0 : i32
        %sign3A_372 = arith.cmpi slt, %jit3A_360, %sign3A_371 : i32
        %sign3A_373 = arith.extui %sign3A_372 : i1 to i32
        %sign3A_374 = arith.subi %sign3A_370, %sign3A_373 : i32
        %ne3A = arith.cmpi ne, %sign3A_367, %sign3A_374 : i32
        %rem3A = arith.remsi %sub3A_359, %jit3A_360 : i32
        %ne3A_375 = arith.constant 0 : i32
        %ne3A_376 = arith.cmpi ne, %rem3A, %ne3A_375 : i32
        %and3A = arith.andi %ne3A, %ne3A_376 : i1
        %sub3A_377 = arith.constant 1 : i32
        %sub3A_378 = arith.subi %div3A_361, %sub3A_377 : i32
        %select_n3A_379 = arith.select %and3A, %sub3A_378, %div3A_361 : i32
        %add3A_380 = arith.addi %scan3A_355, %select_n3A_379 : i32
        %sub3A_381 = arith.subi %scan3A_358, %scan3A_357 : i32
        %jit3A_382 = arith.constant 2 : i32
        %div3A_383 = arith.divsi %sub3A_381, %jit3A_382 : i32
        %sign3A_384 = arith.constant 0 : i32
        %sign3A_385 = arith.cmpi sgt, %sub3A_381, %sign3A_384 : i32
        %sign3A_386 = arith.extui %sign3A_385 : i1 to i32
        %sign3A_387 = arith.constant 0 : i32
        %sign3A_388 = arith.cmpi slt, %sub3A_381, %sign3A_387 : i32
        %sign3A_389 = arith.extui %sign3A_388 : i1 to i32
        %sign3A_390 = arith.subi %sign3A_386, %sign3A_389 : i32
        %sign3A_391 = arith.constant 0 : i32
        %sign3A_392 = arith.cmpi sgt, %jit3A_382, %sign3A_391 : i32
        %sign3A_393 = arith.extui %sign3A_392 : i1 to i32
        %sign3A_394 = arith.constant 0 : i32
        %sign3A_395 = arith.cmpi slt, %jit3A_382, %sign3A_394 : i32
        %sign3A_396 = arith.extui %sign3A_395 : i1 to i32
        %sign3A_397 = arith.subi %sign3A_393, %sign3A_396 : i32
        %ne3A_398 = arith.cmpi ne, %sign3A_390, %sign3A_397 : i32
        %rem3A_399 = arith.remsi %sub3A_381, %jit3A_382 : i32
        %ne3A_400 = arith.constant 0 : i32
        %ne3A_401 = arith.cmpi ne, %rem3A_399, %ne3A_400 : i32
        %and3A_402 = arith.andi %ne3A_398, %ne3A_401 : i1
        %sub3A_403 = arith.constant 1 : i32
        %sub3A_404 = arith.subi %div3A_383, %sub3A_403 : i32
        %select_n3A_405 = arith.select %and3A_402, %sub3A_404, %div3A_383 : i32
        %add3A_406 = arith.addi %scan3A_357, %select_n3A_405 : i32
        %lt3A_407 = vector.broadcast %add3A_380 : i32 to vector<392x128xi32>
        %lt3A_408 = arith.cmpi slt, %select_n3A_188, %lt3A_407 : vector<392x128xi32>
        %jit3A_409 = arith.constant 1.000000e+00 : f32
        %jit3A_410 = arith.constant 0.000000e+00 : f32
        %broadcast_in_dim3A_411 = vector.broadcast %jit3A_409 : f32 to vector<392x128xf32>
        %broadcast_in_dim3A_412 = vector.broadcast %jit3A_410 : f32 to vector<392x128xf32>
        %select_n3A_413 = arith.select %lt3A_408, %broadcast_in_dim3A_411, %broadcast_in_dim3A_412 : vector<392x128xi1>, vector<392x128xf32>
        %reduce_sum3A_414 = vector.shape_cast %select_n3A_413 : vector<392x128xf32> to vector<1x392x128xf32>
        %reduce_sum3A_415 = arith.constant dense<0.000000e+00> : vector<1xf32>
        %reduce_sum3A_416 = vector.multi_reduction <add>, %reduce_sum3A_414, %reduce_sum3A_415 [1, 2] : vector<1x392x128xf32> to vector<1xf32>
        %reduce_sum3A_417 = vector.shape_cast %reduce_sum3A_416 : vector<1xf32> to vector<1x1x1xf32>
        %reduce_sum3A_418 = vector.extract %reduce_sum3A_417[0, 0, 0] : f32 from vector<1x1x1xf32>
        %lt3A_419 = vector.broadcast %add3A_406 : i32 to vector<392x128xi32>
        %lt3A_420 = arith.cmpi slt, %select_n3A_207, %lt3A_419 : vector<392x128xi32>
        %jit3A_421 = arith.constant 1.000000e+00 : f32
        %jit3A_422 = arith.constant 0.000000e+00 : f32
        %broadcast_in_dim3A_423 = vector.broadcast %jit3A_421 : f32 to vector<392x128xf32>
        %broadcast_in_dim3A_424 = vector.broadcast %jit3A_422 : f32 to vector<392x128xf32>
        %select_n3A_425 = arith.select %lt3A_420, %broadcast_in_dim3A_423, %broadcast_in_dim3A_424 : vector<392x128xi1>, vector<392x128xf32>
        %reduce_sum3A_426 = vector.shape_cast %select_n3A_425 : vector<392x128xf32> to vector<1x392x128xf32>
        %reduce_sum3A_427 = arith.constant dense<0.000000e+00> : vector<1xf32>
        %reduce_sum3A_428 = vector.multi_reduction <add>, %reduce_sum3A_426, %reduce_sum3A_427 [1, 2] : vector<1x392x128xf32> to vector<1xf32>
        %reduce_sum3A_429 = vector.shape_cast %reduce_sum3A_428 : vector<1xf32> to vector<1x1x1xf32>
        %reduce_sum3A_430 = vector.extract %reduce_sum3A_429[0, 0, 0] : f32 from vector<1x1x1xf32>
        %ge3A = arith.cmpf oge, %reduce_sum3A_418, %sub3A_183 : f32
        %select_n3A_431 = arith.select %ge3A, %scan3A_355, %add3A_380 : i32
        %ge3A_432 = arith.cmpf oge, %reduce_sum3A_418, %sub3A_183 : f32
        %select_n3A_433 = arith.select %ge3A_432, %add3A_380, %scan3A_356 : i32
        %ge3A_434 = arith.cmpf oge, %reduce_sum3A_430, %sub3A_202 : f32
        %select_n3A_435 = arith.select %ge3A_434, %scan3A_357, %add3A_406 : i32
        %ge3A_436 = arith.cmpf oge, %reduce_sum3A_430, %sub3A_202 : f32
        %select_n3A_437 = arith.select %ge3A_436, %add3A_406, %scan3A_358 : i32
        scf.yield %select_n3A_431, %select_n3A_433, %select_n3A_435, %select_n3A_437 : i32, i32, i32, i32
      }
      %jit3A_217 = arith.constant 0.000000e+00 : f32
      %broadcast_in_dim3A_218 = vector.broadcast %jit3A_217 : f32 to vector<392x128xf32>
      %select_n3A_219 = arith.select %gt3A_171, %sub3A_115, %broadcast_in_dim3A_218 : vector<392x128xi1>, vector<392x128xf32>
      %reduce_sum3A_220 = vector.shape_cast %select_n3A_219 : vector<392x128xf32> to vector<1x392x128xf32>
      %reduce_sum3A_221 = arith.constant dense<0.000000e+00> : vector<1xf32>
      %reduce_sum3A_222 = vector.multi_reduction <add>, %reduce_sum3A_220, %reduce_sum3A_221 [1, 2] : vector<1x392x128xf32> to vector<1xf32>
      %reduce_sum3A_223 = vector.shape_cast %reduce_sum3A_222 : vector<1xf32> to vector<1x1x1xf32>
      %reduce_sum3A_224 = vector.extract %reduce_sum3A_223[0, 0, 0] : f32 from vector<1x1x1xf32>
      %lt3A_225 = vector.broadcast %scan3A_216#1 : i32 to vector<392x128xi32>
      %lt3A_226 = arith.cmpi slt, %select_n3A_188, %lt3A_225 : vector<392x128xi32>
      %jit3A_227 = arith.constant 0.000000e+00 : f32
      %broadcast_in_dim3A_228 = vector.broadcast %jit3A_227 : f32 to vector<392x128xf32>
      %select_n3A_229 = arith.select %lt3A_226, %sub3A_115, %broadcast_in_dim3A_228 : vector<392x128xi1>, vector<392x128xf32>
      %reduce_sum3A_230 = vector.shape_cast %select_n3A_229 : vector<392x128xf32> to vector<1x392x128xf32>
      %reduce_sum3A_231 = arith.constant dense<0.000000e+00> : vector<1xf32>
      %reduce_sum3A_232 = vector.multi_reduction <add>, %reduce_sum3A_230, %reduce_sum3A_231 [1, 2] : vector<1x392x128xf32> to vector<1xf32>
      %reduce_sum3A_233 = vector.shape_cast %reduce_sum3A_232 : vector<1xf32> to vector<1x1x1xf32>
      %reduce_sum3A_234 = vector.extract %reduce_sum3A_233[0, 0, 0] : f32 from vector<1x1x1xf32>
      %add3A_235 = arith.addf %reduce_sum3A_224, %reduce_sum3A_234 : f32
      %gt3A_236 = arith.constant 5.000000e-01 : f32
      %gt3A_237 = vector.broadcast %gt3A_236 : f32 to vector<392x128xf32>
      %gt3A_238 = arith.cmpf ogt, %select_n3A_142, %gt3A_237 : vector<392x128xf32>
      %gt3A_239 = arith.constant 5.000000e-01 : f32
      %gt3A_240 = arith.cmpf ogt, %bitcast_convert_type3A_169, %gt3A_239 : f32
      %jit3A_241 = arith.constant 0.000000e+00 : f32
      %broadcast_in_dim3A_242 = vector.broadcast %jit3A_241 : f32 to vector<392x128xf32>
      %select_n3A_243 = arith.select %gt3A_238, %sub3A_115, %broadcast_in_dim3A_242 : vector<392x128xi1>, vector<392x128xf32>
      %reduce_sum3A_244 = vector.shape_cast %select_n3A_243 : vector<392x128xf32> to vector<1x392x128xf32>
      %reduce_sum3A_245 = arith.constant dense<0.000000e+00> : vector<1xf32>
      %reduce_sum3A_246 = vector.multi_reduction <add>, %reduce_sum3A_244, %reduce_sum3A_245 [1, 2] : vector<1x392x128xf32> to vector<1xf32>
      %reduce_sum3A_247 = vector.shape_cast %reduce_sum3A_246 : vector<1xf32> to vector<1x1x1xf32>
      %reduce_sum3A_248 = vector.extract %reduce_sum3A_247[0, 0, 0] : f32 from vector<1x1x1xf32>
      %select_n3A_249 = arith.select %gt3A_240, %add3A_235, %reduce_sum3A_248 : f32
      %jit3A_250 = arith.constant 1.000000e+00 : f32
      %jit3A_251 = arith.constant 0.000000e+00 : f32
      %broadcast_in_dim3A_252 = vector.broadcast %jit3A_250 : f32 to vector<392x128xf32>
      %broadcast_in_dim3A_253 = vector.broadcast %jit3A_251 : f32 to vector<392x128xf32>
      %select_n3A_254 = arith.select %gt3A_238, %broadcast_in_dim3A_252, %broadcast_in_dim3A_253 : vector<392x128xi1>, vector<392x128xf32>
      %reduce_sum3A_255 = vector.shape_cast %select_n3A_254 : vector<392x128xf32> to vector<1x392x128xf32>
      %reduce_sum3A_256 = arith.constant dense<0.000000e+00> : vector<1xf32>
      %reduce_sum3A_257 = vector.multi_reduction <add>, %reduce_sum3A_255, %reduce_sum3A_256 [1, 2] : vector<1x392x128xf32> to vector<1xf32>
      %reduce_sum3A_258 = vector.shape_cast %reduce_sum3A_257 : vector<1xf32> to vector<1x1x1xf32>
      %reduce_sum3A_259 = vector.extract %reduce_sum3A_258[0, 0, 0] : f32 from vector<1x1x1xf32>
      %jit3A_260 = arith.constant 5.000000e+02 : f32
      %select_n3A_261 = arith.select %gt3A_240, %jit3A_260, %reduce_sum3A_259 : f32
      %jit3A_262 = arith.constant 0.000000e+00 : f32
      %broadcast_in_dim3A_263 = vector.broadcast %jit3A_262 : f32 to vector<392x128xf32>
      %select_n3A_264 = arith.select %lt3A_190, %sub3A_116, %broadcast_in_dim3A_263 : vector<392x128xi1>, vector<392x128xf32>
      %reduce_sum3A_265 = vector.shape_cast %select_n3A_264 : vector<392x128xf32> to vector<1x392x128xf32>
      %reduce_sum3A_266 = arith.constant dense<0.000000e+00> : vector<1xf32>
      %reduce_sum3A_267 = vector.multi_reduction <add>, %reduce_sum3A_265, %reduce_sum3A_266 [1, 2] : vector<1x392x128xf32> to vector<1xf32>
      %reduce_sum3A_268 = vector.shape_cast %reduce_sum3A_267 : vector<1xf32> to vector<1x1x1xf32>
      %reduce_sum3A_269 = vector.extract %reduce_sum3A_268[0, 0, 0] : f32 from vector<1x1x1xf32>
      %lt3A_270 = vector.broadcast %scan3A_216#3 : i32 to vector<392x128xi32>
      %lt3A_271 = arith.cmpi slt, %select_n3A_207, %lt3A_270 : vector<392x128xi32>
      %jit3A_272 = arith.constant 0.000000e+00 : f32
      %broadcast_in_dim3A_273 = vector.broadcast %jit3A_272 : f32 to vector<392x128xf32>
      %select_n3A_274 = arith.select %lt3A_271, %sub3A_116, %broadcast_in_dim3A_273 : vector<392x128xi1>, vector<392x128xf32>
      %reduce_sum3A_275 = vector.shape_cast %select_n3A_274 : vector<392x128xf32> to vector<1x392x128xf32>
      %reduce_sum3A_276 = arith.constant dense<0.000000e+00> : vector<1xf32>
      %reduce_sum3A_277 = vector.multi_reduction <add>, %reduce_sum3A_275, %reduce_sum3A_276 [1, 2] : vector<1x392x128xf32> to vector<1xf32>
      %reduce_sum3A_278 = vector.shape_cast %reduce_sum3A_277 : vector<1xf32> to vector<1x1x1xf32>
      %reduce_sum3A_279 = vector.extract %reduce_sum3A_278[0, 0, 0] : f32 from vector<1x1x1xf32>
      %add3A_280 = arith.addf %reduce_sum3A_269, %reduce_sum3A_279 : f32
      %lt3A_281 = arith.constant 5.000000e-01 : f32
      %lt3A_282 = vector.broadcast %lt3A_281 : f32 to vector<392x128xf32>
      %lt3A_283 = arith.cmpf olt, %select_n3A_152, %lt3A_282 : vector<392x128xf32>
      %lt3A_284 = arith.constant 5.000000e-01 : f32
      %lt3A_285 = arith.cmpf olt, %bitcast_convert_type3A_170, %lt3A_284 : f32
      %jit3A_286 = arith.constant 0.000000e+00 : f32
      %broadcast_in_dim3A_287 = vector.broadcast %jit3A_286 : f32 to vector<392x128xf32>
      %select_n3A_288 = arith.select %lt3A_283, %sub3A_116, %broadcast_in_dim3A_287 : vector<392x128xi1>, vector<392x128xf32>
      %reduce_sum3A_289 = vector.shape_cast %select_n3A_288 : vector<392x128xf32> to vector<1x392x128xf32>
      %reduce_sum3A_290 = arith.constant dense<0.000000e+00> : vector<1xf32>
      %reduce_sum3A_291 = vector.multi_reduction <add>, %reduce_sum3A_289, %reduce_sum3A_290 [1, 2] : vector<1x392x128xf32> to vector<1xf32>
      %reduce_sum3A_292 = vector.shape_cast %reduce_sum3A_291 : vector<1xf32> to vector<1x1x1xf32>
      %reduce_sum3A_293 = vector.extract %reduce_sum3A_292[0, 0, 0] : f32 from vector<1x1x1xf32>
      %select_n3A_294 = arith.select %lt3A_285, %add3A_280, %reduce_sum3A_293 : f32
      %jit3A_295 = arith.constant 1.000000e+00 : f32
      %jit3A_296 = arith.constant 0.000000e+00 : f32
      %broadcast_in_dim3A_297 = vector.broadcast %jit3A_295 : f32 to vector<392x128xf32>
      %broadcast_in_dim3A_298 = vector.broadcast %jit3A_296 : f32 to vector<392x128xf32>
      %select_n3A_299 = arith.select %lt3A_283, %broadcast_in_dim3A_297, %broadcast_in_dim3A_298 : vector<392x128xi1>, vector<392x128xf32>
      %reduce_sum3A_300 = vector.shape_cast %select_n3A_299 : vector<392x128xf32> to vector<1x392x128xf32>
      %reduce_sum3A_301 = arith.constant dense<0.000000e+00> : vector<1xf32>
      %reduce_sum3A_302 = vector.multi_reduction <add>, %reduce_sum3A_300, %reduce_sum3A_301 [1, 2] : vector<1x392x128xf32> to vector<1xf32>
      %reduce_sum3A_303 = vector.shape_cast %reduce_sum3A_302 : vector<1xf32> to vector<1x1x1xf32>
      %reduce_sum3A_304 = vector.extract %reduce_sum3A_303[0, 0, 0] : f32 from vector<1x1x1xf32>
      %jit3A_305 = arith.constant 5.000000e+02 : f32
      %select_n3A_306 = arith.select %lt3A_285, %jit3A_305, %reduce_sum3A_304 : f32
      %swap3A = arith.constant 0 : index
      %swap3A_307 = memref.load %arg13[%swap3A] : memref<16xf32, #tpu.memory_space<smem>>
      memref.store %min3A, %arg13[%swap3A] : memref<16xf32, #tpu.memory_space<smem>>
      %swap3A_308 = arith.constant 1 : index
      %swap3A_309 = memref.load %arg13[%swap3A_308] : memref<16xf32, #tpu.memory_space<smem>>
      memref.store %min3A_98, %arg13[%swap3A_308] : memref<16xf32, #tpu.memory_space<smem>>
      %add3A_310 = arith.addf %select_n3A_249, %select_n3A_294 : f32
      %add3A_311 = arith.addf %select_n3A_261, %select_n3A_306 : f32
      %div3A_312 = arith.divf %add3A_310, %add3A_311 : f32
      %swap3A_313 = arith.constant 2 : index
      %swap3A_314 = memref.load %arg13[%swap3A_313] : memref<16xf32, #tpu.memory_space<smem>>
      memref.store %div3A_312, %arg13[%swap3A_313] : memref<16xf32, #tpu.memory_space<smem>>
      %swap3A_315 = arith.constant 0.000000e+00 : f32
      %swap3A_316 = arith.constant 3 : index
      %swap3A_317 = memref.load %arg13[%swap3A_316] : memref<16xf32, #tpu.memory_space<smem>>
      memref.store %swap3A_315, %arg13[%swap3A_316] : memref<16xf32, #tpu.memory_space<smem>>
      %swap3A_318 = arith.constant 0.000000e+00 : f32
      %swap3A_319 = arith.constant 4 : index
      %swap3A_320 = memref.load %arg13[%swap3A_319] : memref<16xf32, #tpu.memory_space<smem>>
      memref.store %swap3A_318, %arg13[%swap3A_319] : memref<16xf32, #tpu.memory_space<smem>>
      %swap3A_321 = arith.constant 0.000000e+00 : f32
      %swap3A_322 = arith.constant 5 : index
      %swap3A_323 = memref.load %arg13[%swap3A_322] : memref<16xf32, #tpu.memory_space<smem>>
      memref.store %swap3A_321, %arg13[%swap3A_322] : memref<16xf32, #tpu.memory_space<smem>>
      %swap3A_324 = arith.constant 0.000000e+00 : f32
      %swap3A_325 = arith.constant 6 : index
      %swap3A_326 = memref.load %arg13[%swap3A_325] : memref<16xf32, #tpu.memory_space<smem>>
      memref.store %swap3A_324, %arg13[%swap3A_325] : memref<16xf32, #tpu.memory_space<smem>>
      %swap3A_327 = arith.constant 0.000000e+00 : f32
      %swap3A_328 = arith.constant 7 : index
      %swap3A_329 = memref.load %arg13[%swap3A_328] : memref<16xf32, #tpu.memory_space<smem>>
      memref.store %swap3A_327, %arg13[%swap3A_328] : memref<16xf32, #tpu.memory_space<smem>>
      %swap3A_330 = arith.constant 0.000000e+00 : f32
      %swap3A_331 = arith.constant 8 : index
      %swap3A_332 = memref.load %arg13[%swap3A_331] : memref<16xf32, #tpu.memory_space<smem>>
      memref.store %swap3A_330, %arg13[%swap3A_331] : memref<16xf32, #tpu.memory_space<smem>>
      %swap3A_333 = arith.constant 0.000000e+00 : f32
      %swap3A_334 = arith.constant 9 : index
      %swap3A_335 = memref.load %arg13[%swap3A_334] : memref<16xf32, #tpu.memory_space<smem>>
      memref.store %swap3A_333, %arg13[%swap3A_334] : memref<16xf32, #tpu.memory_space<smem>>
      %swap3A_336 = arith.constant 0.000000e+00 : f32
      %swap3A_337 = arith.constant 10 : index
      %swap3A_338 = memref.load %arg13[%swap3A_337] : memref<16xf32, #tpu.memory_space<smem>>
      memref.store %swap3A_336, %arg13[%swap3A_337] : memref<16xf32, #tpu.memory_space<smem>>
      %swap3A_339 = arith.constant 0.000000e+00 : f32
      %swap3A_340 = arith.constant 11 : index
      %swap3A_341 = memref.load %arg13[%swap3A_340] : memref<16xf32, #tpu.memory_space<smem>>
      memref.store %swap3A_339, %arg13[%swap3A_340] : memref<16xf32, #tpu.memory_space<smem>>
      %swap3A_342 = arith.constant 0.000000e+00 : f32
      %swap3A_343 = arith.constant 12 : index
      %swap3A_344 = memref.load %arg13[%swap3A_343] : memref<16xf32, #tpu.memory_space<smem>>
      memref.store %swap3A_342, %arg13[%swap3A_343] : memref<16xf32, #tpu.memory_space<smem>>
      %swap3A_345 = arith.constant 0.000000e+00 : f32
      %swap3A_346 = arith.constant 13 : index
      %swap3A_347 = memref.load %arg13[%swap3A_346] : memref<16xf32, #tpu.memory_space<smem>>
      memref.store %swap3A_345, %arg13[%swap3A_346] : memref<16xf32, #tpu.memory_space<smem>>
      %swap3A_348 = arith.constant 0.000000e+00 : f32
      %swap3A_349 = arith.constant 14 : index
      %swap3A_350 = memref.load %arg13[%swap3A_349] : memref<16xf32, #tpu.memory_space<smem>>
      memref.store %swap3A_348, %arg13[%swap3A_349] : memref<16xf32, #tpu.memory_space<smem>>
      %swap3A_351 = arith.constant 0.000000e+00 : f32
      %swap3A_352 = arith.constant 15 : index
      %swap3A_353 = memref.load %arg13[%swap3A_352] : memref<16xf32, #tpu.memory_space<smem>>
      memref.store %swap3A_351, %arg13[%swap3A_352] : memref<16xf32, #tpu.memory_space<smem>>
    } else {
    }
    return
  }
  func.func @transform_0(%arg0: i32) -> i32 {
    %c0_i32 = arith.constant 0 : i32
    %c0_i32_0 = arith.constant 0 : i32
    return %c0_i32 : i32
  }
  func.func @transform_1(%arg0: i32) -> (i32, i32) {
    %min3A = arith.constant 48 : i32
    %min3A_0 = arith.minsi %arg0, %min3A : i32
    %c0_i32 = arith.constant 0 : i32
    %c0_i32_1 = arith.constant 0 : i32
    return %min3A_0, %c0_i32 : i32, i32
  }
  func.func @transform_2(%arg0: i32) -> (i32, i32) {
    %c0_i32 = arith.constant 0 : i32
    %c0_i32_0 = arith.constant 0 : i32
    %c0_i32_1 = arith.constant 0 : i32
    return %c0_i32, %c0_i32_0 : i32, i32
  }
  func.func @transform_3(%arg0: i32) -> (i32, i32) {
    %c0_i32 = arith.constant 0 : i32
    %c0_i32_0 = arith.constant 0 : i32
    %c0_i32_1 = arith.constant 0 : i32
    return %c0_i32, %c0_i32_0 : i32, i32
  }
  func.func @transform_4(%arg0: i32) -> (i32, i32) {
    %c0_i32 = arith.constant 0 : i32
    %c0_i32_0 = arith.constant 0 : i32
    %c0_i32_1 = arith.constant 0 : i32
    return %c0_i32, %c0_i32_0 : i32, i32
  }
  func.func @transform_5(%arg0: i32) -> (i32, i32) {
    %c0_i32 = arith.constant 0 : i32
    %c0_i32_0 = arith.constant 0 : i32
    %c0_i32_1 = arith.constant 0 : i32
    return %c0_i32, %c0_i32_0 : i32, i32
  }
  func.func @transform_6(%arg0: i32) -> (i32, i32) {
    %c0_i32 = arith.constant 0 : i32
    %c0_i32_0 = arith.constant 0 : i32
    %c0_i32_1 = arith.constant 0 : i32
    return %c0_i32, %c0_i32_0 : i32, i32
  }
  func.func @transform_7(%arg0: i32) -> (i32, i32) {
    %c0_i32 = arith.constant 0 : i32
    %c0_i32_0 = arith.constant 0 : i32
    %c0_i32_1 = arith.constant 0 : i32
    return %c0_i32, %c0_i32_0 : i32, i32
  }
  func.func @transform_8(%arg0: i32) -> (i32, i32) {
    %c0_i32 = arith.constant 0 : i32
    %c0_i32_0 = arith.constant 0 : i32
    %c0_i32_1 = arith.constant 0 : i32
    return %c0_i32, %c0_i32_0 : i32, i32
  }
  func.func @transform_9(%arg0: i32) -> (i32, i32) {
    %c0_i32 = arith.constant 0 : i32
    %c0_i32_0 = arith.constant 0 : i32
    %c0_i32_1 = arith.constant 0 : i32
    return %c0_i32, %c0_i32_0 : i32, i32
  }
  func.func @transform_10(%arg0: i32) -> (i32, i32) {
    %c0_i32 = arith.constant 0 : i32
    %c0_i32_0 = arith.constant 0 : i32
    %c0_i32_1 = arith.constant 0 : i32
    return %c0_i32, %c0_i32_0 : i32, i32
  }
  func.func @transform_11(%arg0: i32) -> (i32, i32) {
    %c0_i32 = arith.constant 0 : i32
    %c0_i32_0 = arith.constant 0 : i32
    %c0_i32_1 = arith.constant 0 : i32
    return %c0_i32, %c0_i32_0 : i32, i32
  }
  func.func @transform_12(%arg0: i32) -> i32 {
    %c0_i32 = arith.constant 0 : i32
    %c0_i32_0 = arith.constant 0 : i32
    return %c0_i32 : i32
  }
}

</mosaic_0001>

<sc_bundles>
// kernel: kernel.4.cloned.1.call-start
scs
__scs_entry_jumppad:
0x0: {  	(pc) =	sbr.rel $0x88, $3  }
0x1: {  	(tag) =	ssettag $0x0;
	lr =	simm.s32 $0x1  }
0x2: {  	[smem:$0x3F92] =	sst lr;
	_ =	strace $0xD0000000  }
0x3: {  	_ = 	snop  }
0x4: {  	_ = 	snop  }
0x5: {  	_ = 	snop  }
0x6: {  	_ = 	snop  }
0x7: {  	_ = 	snop  }
__scs_overlays_trampoline_lowered:
0x8: {  	[smem:$0x3FA1] =	sst s0  }
0x9: {  	[smem:$0x3FA2] =	sst s1  }
0xa: {  	[smem:$0x3FA3] =	sst s2  }
0xb: {  	[smem:$0x3FA4] =	sst s3  }
0xc: {  	[smem:$0x3FA5] =	sst s4  }
0xd: {  	[smem:$0x3FA6] =	sst s5  }
0xe: {  	[smem:$0x3FA7] =	sst s6  }
0xf: {  	[smem:$0x3FA8] =	sst s7  }
0x10: {  	[smem:$0x3FA9] =	sst s8  }
0x11: {  	[smem:$0x3FAA] =	sst s9;
	s0 =	simm.s32 @!p0 $0x0  }
0x12: {  	s1 =	sld [smem:$0x3F90];
	s0 =	simm.s32 @p0 $0x1  }
0x13: {  	[smem:$0x3FAB] =	sst s0;
	s0 =	simm.s32 @!p1 $0x0  }
0x14: {  	s2 =	sld [smem:$0x3F8F];
	s0 =	simm.s32 @p1 $0x1  }
0x15: {  	[smem:$0x3FAC] =	sst s0;
	s0 =	simm.s32 @!p2 $0x0  }
0x16: {  	s3 =	sld [smem:$0x3FDB];
	s0 =	simm.s32 @p2 $0x1  }
0x17: {  	s4 =	simm.s32 $0x1BF5;
	[smem:$0x3FAE] =	sst s0  }
0x18: {  	s0 =	sld [smem:$0x3F91];
	_ =	swait.ge [sflag:s4], $0x0  }
0x19: {  	s7 =	sld [smem:$0x3F92]  }
0x1a: {  	s8 =	sadd.s32 $0xFFFFE003, lr  }
0x1b: {  	s9 =	sadd.s32 $0xFFFFFEF7, lr;
	s5 =	simm.s32 $0xFFFFFFFF;
	p2 =	slt.u32 s8, $0xFFFFF086  }
0x1c: {  	p1 =	slt.u32 s9, $0xF7A;
	s5 =	simm.s32 @!p2 $0x0  }
0x1d: {  	s5 =	simm.s32 @p1 $0x1;
	p0 =	seq.s32 s7, s2  }
0x1e: {  	s7 =	smul.u32 @!p0 $0xF7A, s2;
	p2 =	seq.s32 @!p0 s5, $0x0  }
0x1f: {  	s9 =	smul.u32 $0xF7A, s1;
	s8 =	simm.s32 @!p0 $0x1BF5;
	p2 =	por !p2, p0  }
0x20: {  	[sflag:s8] =	ssyncset.s32 @!p0 $0xFFFFF086;
	s6 =	sadd.s32 @!p0 s3, s7;
	s7 =	simm.s32 @!p0 $0x108  }
0x21: {  	s3 =	sadd.s32 s3, s9;
	s6 =	sadd.s32 @!p0 $0x88, s6;
	s7 =	simm.s32 @p2 $0x1082  }
0x22: {  	[simem:s7], [sflag:s8] =	dma.local @!p0 [hbm:s6], $0xF7A  }
0x23: {  	s9 =	sor.u32 $0xD0000000, s2;
	s6 =	simm.s32 $0x108;
	_ =	swait.ge @!p0 [sflag:s8], $0x0  }
0x24: {  	s3 =	sadd.s32 $0x88, s3;
	s6 =	simm.s32 @!p1 $0x1082;
	[sflag:s4] =	ssyncset.s32 $0xFFFFF086  }
0x25: {  	[simem:s6], [sflag:s4] =	dma.local [hbm:s3], $0xF7A  }
0x26: {  	[smem:$0x3F92] =	sst s1;
	(tag) =	ssettag s2;
	_ =	strace s9  }
0x27: {  	s1 =	sld [smem:$0x3FA2]  }
0x28: {  	s2 =	sld [smem:$0x3FA3]  }
0x29: {  	s4 =	sld [smem:$0x3FA5]  }
0x2a: {  	p0 =	seq.s32 s5, $0x0;
	s5 =	sld [smem:$0x3FA6]  }
0x2b: {  	s6 =	sld [smem:$0x3FA7]  }
0x2c: {  	s7 =	sld [smem:$0x3FA8]  }
0x2d: {  	s3 =	simm.s32 $0x108;
	s8 =	sld [smem:$0x3FA9]  }
0x2e: {  	s3 =	simm.s32 @!p0 $0x1082;
	s9 =	sld [smem:$0x3FAA]  }
0x2f: {  	lr =	sadd.s32 s0, s3;
	s0 =	sld [smem:$0x3FA1]  }
0x30: {  	s3 =	sld [smem:$0x3FA4]  }
0x31: {  	[smem:$0x3FAD] =	sst s10  }
0x32: {  	s10 =	sld [smem:$0x3FAB];
	_ =	sdelay $0x3  }
0x33: {  	p0 =	seq.s32 s10, $0x1;
	s10 =	sld [smem:$0x3FAD];
	_ =	sdelay $0x3  }
0x34: {  	[smem:$0x3FAD] =	sst s10  }
0x35: {  	s10 =	sld [smem:$0x3FAC];
	_ =	sdelay $0x3  }
0x36: {  	p1 =	seq.s32 s10, $0x1;
	s10 =	sld [smem:$0x3FAD];
	_ =	sdelay $0x3  }
0x37: {  	[smem:$0x3FAD] =	sst s10  }
0x38: {  	s10 =	sld [smem:$0x3FAE]  }
0x39: {  	_ = 	snop;
	(pc) =	sbr.ind lr, $3  }
0x3a: {  	_ = 	snop  }
0x3b: {  	_ = 	snop  }
0x3c: {  	p2 =	seq.s32 s10, $0x1;
	s10 =	sld [smem:$0x3FAD]  }
0x3d: {  	_ =	shalt  }
0x3e: {  	_ =	shalt  }
0x3f: {  	_ =	shalt  }
0x40: {  	_ =	shalt  }
0x41: {  	_ =	shalt  }
0x42: {  	_ =	shalt  }
0x43: {  	_ =	shalt  }
0x44: {  	_ =	shalt  }
0x45: {  	_ =	shalt  }
0x46: {  	_ =	shalt  }
0x47: {  	_ =	shalt  }
0x48: {  	_ =	shalt  }
0x49: {  	_ =	shalt  }
0x4a: {  	_ =	shalt  }
0x4b: {  	_ =	shalt  }
0x4c: {  	_ =	shalt  }
0x4d: {  	_ =	shalt  }
0x4e: {  	_ =	shalt  }
0x4f: {  	_ =	shalt  }
0x50: {  	_ =	shalt  }
0x51: {  	_ =	shalt  }
0x52: {  	_ =	shalt  }
0x53: {  	_ =	shalt  }
0x54: {  	_ =	shalt  }
0x55: {  	_ =	shalt  }
0x56: {  	_ =	shalt  }
0x57: {  	_ =	shalt  }
0x58: {  	_ =	shalt  }
0x59: {  	_ =	shalt  }
0x5a: {  	_ =	shalt  }
0x5b: {  	_ =	shalt  }
0x5c: {  	_ =	shalt  }
0x5d: {  	_ =	shalt  }
0x5e: {  	_ =	shalt  }
0x5f: {  	_ =	shalt  }
0x60: {  	_ =	shalt  }
0x61: {  	_ =	shalt  }
0x62: {  	_ =	shalt  }
0x63: {  	_ =	shalt  }
0x64: {  	_ =	shalt  }
0x65: {  	_ =	shalt  }
0x66: {  	_ =	shalt  }
0x67: {  	_ =	shalt  }
0x68: {  	_ =	shalt  }
0x69: {  	_ =	shalt  }
0x6a: {  	_ =	shalt  }
0x6b: {  	_ =	shalt  }
0x6c: {  	_ =	shalt  }
0x6d: {  	_ =	shalt  }
0x6e: {  	_ =	shalt  }
0x6f: {  	_ =	shalt  }
0x70: {  	_ =	shalt  }
0x71: {  	_ =	shalt  }
0x72: {  	_ =	shalt  }
0x73: {  	_ =	shalt  }
0x74: {  	_ =	shalt  }
0x75: {  	_ =	shalt  }
0x76: {  	_ =	shalt  }
0x77: {  	_ =	shalt  }
0x78: {  	_ =	shalt  }
0x79: {  	_ =	shalt  }
0x7a: {  	_ =	shalt  }
0x7b: {  	_ =	shalt  }
0x7c: {  	_ =	shalt  }
0x7d: {  	_ =	shalt  }
0x7e: {  	_ =	shalt  }
0x7f: {  	_ =	shalt  }
0x80: {  	_ =	shalt  }
0x81: {  	_ =	shalt  }
0x82: {  	_ =	shalt  }
0x83: {  	_ =	shalt  }
0x84: {  	_ =	shalt  }
0x85: {  	_ =	shalt  }
0x86: {  	_ =	shalt  }
0x87: {  	_ =	shalt  }
.Lfunc_end0:
.L_simem_size_0:
called_computation_lowered:
.L_overlay_start_0:
0x88: {  	s2 =	sld [smem:$0x3FD9]  }
0x89: {  	s3 =	sld [smem:$0x3FFE];
	_ =	sdelay $0x1  }
0x8a: {  	s1 =	srdreg.scid  }
0x8b: {  	s0 =	sand.u32 $0x1, s1  }
0x8c: {  	s15 =	sshll.u32 s0, $0xA;
	s2 =	sadd.s32 s3, s2  }
0x8d: {  	s2 =	sadd.s32 s2, s15  }
0x8e: {  	[smem:$0x3FB9] =	sst s2  }
0x8f: {  	_ = 	snop  }
0x90: {  	s2 =	sld [smem:$0x3FD0];
	_ =	sdelay $0x2  }
0x91: {  	s16 =	simm.s32 $0xA;
	s4 =	simm.s32 $0x10  }
0x92: {  	[smem:s4], [sflag:s16] =	dma.local [hbm:s2], $0x1  }
0x93: {  	_ =	swait.eq [sflag:s16], $0x1  }
0x94: {  	[sflag:s16] =	ssyncset.done $0x0  }
0x95: {  	s17 =	sld [smem:$0x10];
	[sflag:s16] =	ssyncadd.s32 $0xFFFFFFFF  }
0x96: {  	s18 =	sld [smem:$0x12];
	(tm) =	ssettm $0x1  }
0x97: {  	s19 =	sld [smem:$0x3FFB];
	_ =	sdelay $0x3  }
0x98: {  	_ =	strace s19  }
0x99: {  	s4 =	sld [smem:$0x3FFC];
	_ =	sdelay $0x3  }
0x9a: {  	_ =	strace s4  }
0x9b: {  	s4 =	sld [smem:$0x3FFD];
	_ =	sdelay $0x3  }
0x9c: {  	_ =	strace s4  }
0x9d: {  	_ =	strace $0x8FFFFFFF  }
0x9e: {  	s20 =	sld [smem:$0x3FDB];
	_ =	sdelay $0x1  }
0x9f: {  	s5 =	simm.s32 $_scs_section_size  }
0xa0: {  	s6 =	simm.s32 $_size__tile_overlayer_lowered;
	s7 =	simm.s32 $_tile_overlayer_lowered  }
0xa1: {  	s23 =	simm.s32 $0x1BFF;
	s22 =	sshll.u32 s7, $0x1;
	s4 =	sadd.s32 s5, s20  }
0xa2: {  	s8 =	simm.s32 $0x0;
	s21 =	sshll.u32 s6, $0x1;
	s6 =	sadd.s32 s22, s4  }
0xa3: {  	[timem:s8], [sflag:s23] =	dma.local [hbm:s6], s21  }
0xa4: {  	_ =	swait.ge [sflag:s23], s21  }
0xa5: {  	s5 =	ssub.s32 $0x0, s21;
	[sflag:s23] =	ssyncset.done $0x0  }
0xa6: {  	[sflag:s23] =	ssyncadd.s32 s5;
	_ =	sdelay $0x1  }
0xa7: {  	s24 =	simm.s32 $0x1B8B  }
0xa8: {  	_ =	swait.ge [sflag:s24], $0x1  }
0xa9: {  	[sflag:s24] =	ssyncset.done $0x0  }
0xaa: {  	s25 =	simm.s32 $0x1B8E;
	[sflag:s24] =	ssyncadd.s32 $0xFFFFFFFF  }
0xab: {  	s26 =	simm.s32 $execute0_lowered;
	[smem:$0x3FD2] =	sst s25  }
0xac: {  	s5 =	sshll.u32 s26, $0x1;
	_ =	strace $0x80000046;
	[dreg:$0x1] =	wrdreg $0xFFFFFFFF  }
0xad: {  	s28 =	simm.s32 $_size_execute0_lowered;
	s4 =	sadd.s32 s4, s5;
	[dreg:$0x0] =	wrdreg $0x0  }
0xae: {  	s5 =	sshll.u32 s28, $0x1;
	[dreg:$0x2] =	wrdreg s4  }
0xaf: {  	[dreg:$0x3] =	wrdreg s5  }
0xb0: {  	[dreg:$0x4] =	wrdreg $0xC0  }
0xb1: {  	_ =	task [dreg:s8], $0x5FFFF  }
0xb2: {  	[dreg:$0x1] =	wrdreg $0xFFFFFFFF  }
0xb3: {  	[dreg:$0x0] =	wrdreg $0x60  }
0xb4: {  	[dreg:$0x2] =	wrdreg s18  }
0xb5: {  	[dreg:$0x3] =	wrdreg s17  }
0xb6: {  	[dreg:$0x4] =	wrdreg $0x9  }
0xb7: {  	_ =	task.clear_ibuf [dreg:s8], $0x5FFFF;
	_ =	strace $0x90000046  }
0xb8: {  	s29 =	simm.s32 $0x9;
	_ =	strace $0x80000048  }
0xb9: {  	_ =	swait.ge [sflag:s29], $0x1  }
0xba: {  	[sflag:s29] =	ssyncadd.s32 $0xFFFFFFFF  }
0xbb: {  	_ =	strace $0x90000048  }
0xbc: {  	_ =	sfence  }
0xbd: {  	s30 =	sld [smem:$0x0];
	_ =	sdelay $0x2  }
0xbe: {  	s31 =	sshll.u32 s1, $0xD;
	s1 =	sshrl.u32 s1, $0x2  }
0xbf: {  	s3 =	sand.u32 $0x4000, s31;
	s1 =	sadd.s32 s1, s30  }
0xc0: {  	s0 =	sor.u32 s3, s0;
	s1 =	sshll.u32 s1, $0x11  }
0xc1: {  	s0 =	sor.u32 s1, s0  }
0xc2: {  	s0 =	sadd.s32 $0x8F2B, s0  }
0xc3: {  	[sflag:s0] =	ssyncadd.remote.s32 $0x1  }
0xc4: {  	_ =	sfence.sel $0xFFFF  }
0xc5: {  	[dreg:$0x0] =	wrdreg $0xFFFFFFFF;
	(pc) =	sbr.abs _section_cstart, $3  }
0xc6: {  	[dreg:$0x1] =	wrdreg $0xFFFFFFFF  }
0xc7: {  	_ =	task.clear_ibuf [dreg:s8], $0x2FFFF;
	_ =	strace $0x9FFFFFFF  }
0xc8: {  	(tm) =	ssettm $0x7FFFFFFF  }
0xc9: {  	_ =	shalt  }
tec
execute0_lowered:
.L_overlay_start_1:
0x0: {  	(tag) =	ssettag $0x1  }
0x1: {  	s0 =	srdreg.scid  }
0x2: {  	s4 =	sand.u32 $0x1, s0;
	s0 =	stileid.u32  }
0x3: {  	s5 =	sshll.u32 s0, $0x1;
	s6 =	ssub.s32 $0x0, s4  }
0x4: {  	p0 =	sne.s32 s5, s6  }
.Ltmp0:
0x5: {  	_ = 	snop;
	(pc) =	sbr.rel @p0 .LBB2_4-.Ltmp0, $4  }
0x6: {  	_ = 	snop  }
0x7: {  	s2 =	rddreg [dreg:$0x0]  }
0x8: {  	s3 =	rddreg [dreg:$0x1]  }
0x9: {  	s1 =	rddreg [dreg:$0x2];
	_ =	strace $0x80000047  }
0xa: {  	s6 =	ssub.s32 $0x2, s4;
	s5 =	simm.s32 $0x0  }
0xb: {  	[tilespmem:s5], [sflag:$0x1] =	stream.linear.gather [hbm4b:s2+s5], $0x80, $0x38;
	[tilespmem:$0x80] =	vst v63  }
0xc: {  	s7 =	sshrl.u32 s6, $0x1  }
0xd: {  	s6 =	ssub.s32 s6, s7  }
0xe: {  	s4 =	simm.s32 $0x1;
	s6 =	smax.u32 s6, $0x1  }
0xf: {  	_ =	swait.ge [sflag:s4], $0x80;
	p0 =	sne.s32 s6, $0x1  }
.Ltmp1:
0x10: {  	[sflag:s4] =	ssyncset.done $0x0;
	(pc) =	sbr.rel @!p0 .LBB2_3-.Ltmp1, $4  }
0x11: {  	[sflag:s4] =	ssyncadd.s32 $0xFFFFFF80  }
0x12: {  	[hbm4b:s3+s5] =	stream.linear.scatter [tilespmem:s5], [sflag:$0x1], $0x80, $0x38;
	[tilespmem:$0x80] =	vst v63  }
0x13: {  	_ =	swait.ge [sflag:s4], $0x80  }
0x14: {  	s6 =	sadd.s32 $0xFFFFFFFF, s6;
	[sflag:s4] =	ssyncset.done $0x0  }
.LBB2_2:
0x15: {  	p0 =	sne.s32 s6, $0x1;
	s6 =	sadd.s32 $0xFFFFFFFF, s6;
	[sflag:s4] =	ssyncadd.s32 $0xFFFFFF80  }
0x16: {  	[tilespmem:s5], [sflag:$0x1] =	stream.linear.gather [hbm4b:s2+s5], $0x80, $0x38;
	[tilespmem:$0x80] =	vst v63  }
0x17: {  	_ =	swait.ge [sflag:s4], $0x80  }
.Ltmp2:
0x18: {  	[sflag:s4] =	ssyncset.done $0x0;
	(pc) =	sbr.rel @p0 .LBB2_2-.Ltmp2, $4  }
0x19: {  	[sflag:s4] =	ssyncadd.s32 $0xFFFFFF80  }
0x1a: {  	[hbm4b:s3+s5] =	stream.linear.scatter [tilespmem:s5], [sflag:$0x1], $0x80, $0x38;
	[tilespmem:$0x80] =	vst v63  }
0x1b: {  	_ =	swait.ge [sflag:s4], $0x80  }
0x1c: {  	[sflag:s4] =	ssyncset.done $0x0  }
.LBB2_3:
0x1d: {  	[sflag:s4] =	ssyncadd.s32 $0xFFFFFF80  }
.LBB2_4:
0x1e: {  	_ =	sfence.sel $0x180000  }
0x1f: {  	[bflag:$0x0] =	sbarrier.arrive $0xFFFF  }
0x20: {  	p0 =	sne.s32 s0, $0x0;
	_ =	strace $0x90000047  }
0x21: {  	s0 =	sadd.s32 @!p0 $0x100000, s1;
	[bflag:$0x2] =	sbarrier.arrive $0xFFFF  }
0x22: {  	[sflag:s0] =	ssyncadd.tile.s32 @!p0 $0x1;
	_ =	shalt  }
.Lfunc_end2:
_tile_overlayer_lowered:
.L_overlay_start_2:
0x23: {  	(tag) =	ssettag $0x2  }
0x24: {  	s0 =	rddreg [dreg:$0x0];
	s2 =	stileid.u32  }
0x25: {  	s1 =	rddreg [dreg:$0x1];
	p0 =	sne.s32 s2, $0x0  }
0x26: {  	s3 =	rddreg [dreg:$0x2];
	[bflag:$0x3] =	sbarrier.arrive $0xFFFF;
	s2 =	simm.s32 @!p0 $0x1C01  }
0x27: {  	[timem:s3], [sflag:s2] =	dma.local @!p0 [hbm:s0], s1  }
0x28: {  	s0 =	simm.s32 @!p0 $0x1  }
0x29: {  	_ =	swait.ge @!p0 [sflag:s0], s1  }
0x2a: {  	s1 =	ssub.s32 @!p0 $0x0, s1;
	[sflag:s0] =	ssyncset.done @!p0 $0x0  }
0x2b: {  	[sflag:s0] =	ssyncadd.s32 @!p0 s1  }
0x2c: {  	[bflag:$0x3] =	sbarrier.arrive $0xFFFF  }
0x2d: {  	_ =	shalt  }

</sc_bundles>
